<compile_context>
chip_gen: v7x
topology: tpu7x:2x2x1
jax: 0.10.2.dev20260603
libtpu: 0.0.44.dev20260713+nightly
codegen_flags: <defaults>
</compile_context>

<pallas_src>
import functools

import jax
import jax.numpy as jnp
from jax import lax
from jax.experimental import pallas as pl
from jax.experimental.pallas import tpu as pltpu
from jax.experimental.pallas import tpu_sc as plsc


def _silu(x):
    return x * jax.nn.sigmoid(x)


def _router_body(x_ref, gate_ref, meta_ref, tot_ref, wr1_ref, wr2_ref, *, M, E):
    xb16 = x_ref[...].astype(jnp.bfloat16)
    g16 = gate_ref[...].astype(jnp.bfloat16)
    logits = jax.lax.dot_general(
        g16, xb16, (((1,), (1,)), ((), ())),
        preferred_element_type=jnp.float32)
    m = jnp.max(logits, axis=0, keepdims=True)
    ex = jnp.exp(logits - m)
    w = ex / jnp.sum(ex, axis=0, keepdims=True)
    iota = jax.lax.broadcasted_iota(jnp.int32, w.shape, 0)
    m1 = jnp.max(w, axis=0, keepdims=True)
    i1 = jnp.min(jnp.where(w == m1, iota, E), axis=0, keepdims=True)
    wm = jnp.where(iota == i1, -1.0, w)
    m2 = jnp.max(wm, axis=0, keepdims=True)
    i2 = jnp.min(jnp.where(wm == m2, iota, E), axis=0, keepdims=True)
    keep = (iota == i1) | (iota == i2)
    counts = keep.astype(jnp.float32)
    g = counts
    k = 1
    while k < M:
        shifted = jnp.concatenate(
            [jnp.zeros((E, k), jnp.float32), g[:, :M - k]], axis=1)
        g = g + shifted
        k *= 2
    rank = g - counts
    tot = g[:, M - 1:M]
    o = tot
    k = 1
    while k < E:
        o = o + jnp.concatenate(
            [jnp.zeros((k, 1), jnp.float32), o[:E - k, :]], axis=0)
        k *= 2
    offs = o - tot
    pos = offs + rank
    p1 = jnp.sum(jnp.where(iota == i1, pos, 0.0), axis=0, keepdims=True)
    p2 = jnp.sum(jnp.where(iota == i2, pos, 0.0), axis=0, keepdims=True)
    meta_ref[...] = jnp.concatenate([p1, p2, m1, m2], axis=0)
    tot_ref[...] = tot
    logits2 = jax.lax.dot_general(
        xb16, g16, (((1,), (1,)), ((), ())),
        preferred_element_type=jnp.float32)
    mm = jnp.max(logits2, axis=1, keepdims=True)
    ex2 = jnp.exp(logits2 - mm)
    w2o = ex2 / jnp.sum(ex2, axis=1, keepdims=True)
    iota2 = jax.lax.broadcasted_iota(jnp.int32, w2o.shape, 1)
    n1 = jnp.max(w2o, axis=1, keepdims=True)
    j1 = jnp.min(jnp.where(w2o == n1, iota2, E), axis=1, keepdims=True)
    wn = jnp.where(iota2 == j1, -1.0, w2o)
    n2 = jnp.max(wn, axis=1, keepdims=True)
    wr1_ref[...] = jnp.broadcast_to(n1, (M, 128))
    wr2_ref[...] = jnp.broadcast_to(n2, (M, 128))


def _shared_body(x_ref, sgw_ref, wg_ref, wu_ref, wd_ref, out_ref,
                 xb16_ref, sg_ref, *, M, TS):
    st = pl.program_id(0)

    @pl.when(st == 0)
    def _prep():
        xb16_ref[...] = x_ref[...].astype(jnp.bfloat16)
        sgw16 = sgw_ref[...].astype(jnp.bfloat16).astype(jnp.float32)
        sgl = jnp.sum(xb16_ref[...].astype(jnp.float32) * sgw16, axis=-1,
                      keepdims=True)
        sg_ref[...] = jnp.broadcast_to(jax.nn.sigmoid(sgl), (M, 8))

    xb16 = xb16_ref[...]
    wg = wg_ref[...].astype(jnp.bfloat16)
    wu = wu_ref[...].astype(jnp.bfloat16)
    gs = jax.lax.dot_general(xb16, wg, (((1,), (1,)), ((), ())),
                             preferred_element_type=jnp.float32)
    us = jax.lax.dot_general(xb16, wu, (((1,), (1,)), ((), ())),
                             preferred_element_type=jnp.float32)
    sa = (_silu(gs) * us).astype(jnp.bfloat16)
    wd = wd_ref[...].astype(jnp.bfloat16)
    so = jax.lax.dot_general(sa, wd, (((1,), (1,)), ((), ())),
                             preferred_element_type=jnp.float32)
    acc = so * sg_ref[:, 0:1]

    @pl.when(st == 0)
    def _init():
        out_ref[...] = acc

    @pl.when(st != 0)
    def _accum():
        out_ref[...] = out_ref[...] + acc


def _expert_body(tid_ref, eid_ref, fst_ref, vld_ref,
                 xs_ref, w13_ref, w2_ref, cumtot_ref, ws_ref, eo_ref, *, R, E, I):
    t = pl.program_id(0)

    @pl.when(vld_ref[t] == 1)
    def _work():
        e = eid_ref[t]
        tile = tid_ref[t]
        xt = xs_ref[...].astype(jnp.bfloat16)
        h = jax.lax.dot_general(xt, w13_ref[0], (((1,), (1,)), ((), ())),
                                preferred_element_type=jnp.float32)
        act = (_silu(h[:, :I]) * h[:, I:]).astype(jnp.bfloat16)
        row_g = (tile * R + jax.lax.broadcasted_iota(
            jnp.int32, (R, 1), 0)).astype(jnp.float32)
        rexp = jnp.sum((row_g >= cumtot_ref[...]).astype(jnp.float32),
                       axis=1, keepdims=True)
        mask = rexp == e.astype(jnp.float32)
        act = jnp.where(mask, act, jnp.bfloat16(0))
        eo = jax.lax.dot_general(act, w2_ref[0], (((1,), (1,)), ((), ())),
                                 preferred_element_type=jnp.float32)
        eo = eo * ws_ref[:, 0:1]

        @pl.when(fst_ref[t] == 1)
        def _init():
            eo_ref[...] = eo

        @pl.when(fst_ref[t] == 0)
        def _accum():
            eo_ref[...] = eo_ref[...] + eo


def _make_dispatch(M, H, P, NW, TPW):
    mesh = plsc.VectorSubcoreMesh(core_axis_name="c", subcore_axis_name="s",
                                  num_cores=2, num_subcores=16)

    @functools.partial(
        pl.kernel, mesh=mesh,
        out_type=[jax.ShapeDtypeStruct((P, H), jnp.float32),
                  jax.ShapeDtypeStruct((P, 128), jnp.float32)],
        scratch_types=[
            pltpu.VMEM((TPW, H), jnp.float32),
            pltpu.VMEM((TPW, 128), jnp.float32),
            pltpu.VMEM((TPW, 128), jnp.float32),
            pltpu.VMEM((TPW,), jnp.float32),
            pltpu.VMEM((TPW,), jnp.float32),
            pltpu.VMEM((TPW,), jnp.int32),
            pltpu.VMEM((TPW,), jnp.int32),
            pltpu.SemaphoreType.DMA,
        ],
    )
    def dispatch(x_hbm, meta_hbm, wr1_hbm, wr2_hbm, xs_hbm, ws_hbm,
                 xrows, w1r, w2r, p1f, p2f, p1i, p2i, sem):
        wid = lax.axis_index("s") * 2 + lax.axis_index("c")
        base = wid * TPW
        pltpu.sync_copy(x_hbm.at[pl.ds(base, TPW)], xrows)
        pltpu.sync_copy(wr1_hbm.at[pl.ds(base, TPW)], w1r)
        pltpu.sync_copy(wr2_hbm.at[pl.ds(base, TPW)], w2r)
        pltpu.sync_copy(meta_hbm.at[0, pl.ds(base, TPW)], p1f)
        pltpu.sync_copy(meta_hbm.at[1, pl.ds(base, TPW)], p2f)
        for j in range(TPW // 16):
            s = pl.ds(j * 16, 16)
            p1i[s] = p1f[s].astype(jnp.int32)
            p2i[s] = p2f[s].astype(jnp.int32)
        pltpu.async_copy(xrows, xs_hbm.at[p1i], sem).wait()
        pltpu.async_copy(xrows, xs_hbm.at[p2i], sem).wait()
        pltpu.async_copy(w1r, ws_hbm.at[p1i], sem).wait()
        pltpu.async_copy(w2r, ws_hbm.at[p2i], sem).wait()

    return dispatch


def _make_gather2(M, H, P, NW, TPW):
    mesh = plsc.VectorSubcoreMesh(core_axis_name="c", subcore_axis_name="s",
                                  num_cores=2, num_subcores=16)

    @functools.partial(
        pl.kernel, mesh=mesh,
        out_type=[jax.ShapeDtypeStruct((M, H), jnp.float32),
                  jax.ShapeDtypeStruct((M, H), jnp.float32)],
        scratch_types=[
            pltpu.VMEM((TPW, H), jnp.float32),
            pltpu.VMEM((TPW,), jnp.float32),
            pltpu.VMEM((TPW,), jnp.int32),
            pltpu.SemaphoreType.DMA,
        ],
    )
    def gather2(eo_hbm, meta_hbm, e1_hbm, e2_hbm, rows, pf, pi, sem):
        wid = lax.axis_index("s") * 2 + lax.axis_index("c")
        base = wid * TPW
        pltpu.sync_copy(meta_hbm.at[0, pl.ds(base, TPW)], pf)
        for j in range(TPW // 16):
            sl = pl.ds(j * 16, 16)
            pi[sl] = pf[sl].astype(jnp.int32)
        pltpu.async_copy(eo_hbm.at[pi], rows, sem).wait()
        pltpu.sync_copy(rows, e1_hbm.at[pl.ds(base, TPW)])
        pltpu.sync_copy(meta_hbm.at[1, pl.ds(base, TPW)], pf)
        for j in range(TPW // 16):
            sl = pl.ds(j * 16, 16)
            pi[sl] = pf[sl].astype(jnp.int32)
        pltpu.async_copy(eo_hbm.at[pi], rows, sem).wait()
        pltpu.sync_copy(rows, e2_hbm.at[pl.ds(base, TPW)])

    return gather2


def _final_body(sh_ref, e1_ref, e2_ref, out_ref):
    out_ref[...] = sh_ref[...] + e1_ref[...] + e2_ref[...]


def kernel(hidden_states, w13_stacked, w2_stacked, gate_w,
           shared_expert_gate_w, shared_gate_up_w, shared_down_w):
    orig_shape = hidden_states.shape
    H = orig_shape[-1]
    x = hidden_states.reshape(-1, H)
    M = x.shape[0]
    E, twoI, _ = w13_stacked.shape
    I = twoI // 2
    S = shared_down_w.shape[1]
    P = 2 * M
    R = 256
    NT = P // R
    VISITS = NT + E - 1
    NW = 32
    TPW = M // NW

    meta, tot_f, wr1, wr2 = pl.pallas_call(
        functools.partial(_router_body, M=M, E=E),
        grid=(1,),
        in_specs=[
            pl.BlockSpec((M, H), lambda i: (0, 0)),
            pl.BlockSpec((E, H), lambda i: (0, 0)),
        ],
        out_specs=[
            pl.BlockSpec((4, M), lambda i: (0, 0)),
            pl.BlockSpec((E, 1), lambda i: (0, 0)),
            pl.BlockSpec((M, 128), lambda i: (0, 0)),
            pl.BlockSpec((M, 128), lambda i: (0, 0)),
        ],
        out_shape=[
            jax.ShapeDtypeStruct((4, M), jnp.float32),
            jax.ShapeDtypeStruct((E, 1), jnp.float32),
            jax.ShapeDtypeStruct((M, 128), jnp.float32),
            jax.ShapeDtypeStruct((M, 128), jnp.float32),
        ],
    )(x, gate_w)

    tot = tot_f.reshape(E).astype(jnp.int32)
    cumtot = jnp.cumsum(tot)
    starts = cumtot - tot
    tl = jnp.arange(NT, dtype=jnp.int32) * R
    inter = ((starts[None, :] < tl[:, None] + R)
             & (cumtot[None, :] > tl[:, None])
             & (tot[None, :] > 0))
    flat = inter.reshape(-1)
    nvis = jnp.sum(flat.astype(jnp.int32))
    e_last = jnp.max(jnp.where(tot > 0, jnp.arange(E), -1))
    fill = (NT - 1) * E + e_last
    idx0 = jnp.nonzero(flat, size=VISITS, fill_value=0)[0].astype(jnp.int32)
    validv = (jnp.arange(VISITS) < nvis).astype(jnp.int32)
    idx = jnp.where(validv == 1, idx0, fill).astype(jnp.int32)
    tile_id = idx // E
    exp_id = idx % E
    prev_tile = jnp.concatenate([jnp.full((1,), -1, jnp.int32), tile_id[:-1]])
    first = ((tile_id != prev_tile) & (validv == 1)).astype(jnp.int32)
    cumtot_f = cumtot.astype(jnp.float32).reshape(1, E)

    xs, ws = _make_dispatch(M, H, P, NW, TPW)(x, meta, wr1, wr2)

    TS = 512
    shared = pl.pallas_call(
        functools.partial(_shared_body, M=M, TS=TS),
        grid=(S // TS,),
        in_specs=[
            pl.BlockSpec((M, H), lambda st: (0, 0)),
            pl.BlockSpec((1, H), lambda st: (0, 0)),
            pl.BlockSpec((TS, H), lambda st: (st, 0)),
            pl.BlockSpec((TS, H), lambda st: (st + S // TS, 0)),
            pl.BlockSpec((H, TS), lambda st: (0, st)),
        ],
        out_specs=pl.BlockSpec((M, H), lambda st: (0, 0)),
        out_shape=jax.ShapeDtypeStruct((M, H), jnp.float32),
        scratch_shapes=[
            pltpu.VMEM((M, H), jnp.bfloat16),
            pltpu.VMEM((M, 8), jnp.float32),
        ],
        compiler_params=pltpu.CompilerParams(
            dimension_semantics=("arbitrary",)),
    )(x, shared_expert_gate_w, shared_gate_up_w, shared_gate_up_w,
      shared_down_w)

    eo = pl.pallas_call(
        functools.partial(_expert_body, R=R, E=E, I=I),
        grid_spec=pltpu.PrefetchScalarGridSpec(
            num_scalar_prefetch=4,
            grid=(VISITS,),
            in_specs=[
                pl.BlockSpec((R, H), lambda t, tid, eid, fst, vld:
                             (tid[t], 0)),
                pl.BlockSpec((1, twoI, H), lambda t, tid, eid, fst, vld:
                             (eid[t], 0, 0)),
                pl.BlockSpec((1, H, I), lambda t, tid, eid, fst, vld:
                             (eid[t], 0, 0)),
                pl.BlockSpec((1, E), lambda t, tid, eid, fst, vld: (0, 0)),
                pl.BlockSpec((R, 128), lambda t, tid, eid, fst, vld:
                             (tid[t], 0)),
            ],
            out_specs=pl.BlockSpec((R, H), lambda t, tid, eid, fst, vld:
                                   (tid[t], 0)),
        ),
        out_shape=jax.ShapeDtypeStruct((P, H), jnp.float32),
        compiler_params=pltpu.CompilerParams(
            dimension_semantics=("arbitrary",)),
    )(tile_id, exp_id, first, validv, xs, w13_stacked, w2_stacked, cumtot_f,
      ws)

    e1_tok, e2_tok = _make_gather2(M, H, P, NW, TPW)(eo, meta)

    TF = 1024
    out = pl.pallas_call(
        _final_body,
        grid=(M // TF,),
        in_specs=[
            pl.BlockSpec((TF, H), lambda i: (i, 0)),
            pl.BlockSpec((TF, H), lambda i: (i, 0)),
            pl.BlockSpec((TF, H), lambda i: (i, 0)),
        ],
        out_specs=pl.BlockSpec((TF, H), lambda i: (i, 0)),
        out_shape=jax.ShapeDtypeStruct((M, H), jnp.float32),
        compiler_params=pltpu.CompilerParams(
            dimension_semantics=("arbitrary",)),
    )(shared, e1_tok, e2_tok)
    return out.reshape(orig_shape)

# --- scband reference (transcript-rebuilt; emitter-appended) ---
"""Pipeline reference for scband-qwen2-moe-sparse-moe-block-283467842487 (READ-ONLY COPY).

The authoritative reference and input builder live on the scoring server;
editing this copy changes nothing except your own understanding.
"""

import jax, jax.numpy as jnp
import numpy as np

H = 768      # hidden_size
E = 8        # num_experts
K = 2        # num_experts_per_tok
I = 768      # moe_intermediate_size
S = 2048     # shared_expert_intermediate_size
B, T = 1, 2048


def _silu(x):
    return x * jax.nn.sigmoid(x)


def setup_inputs(seed: int = 0) -> dict:
    key = jax.random.key(seed)
    ks = jax.random.split(key, 7)
    return {
        "hidden_states": jax.random.normal(ks[0], (B, T, H), dtype=jnp.float32),
        "w13_stacked": jax.random.normal(ks[1], (E, 2 * I, H), dtype=jnp.float32) * 0.02,
        "w2_stacked": jax.random.normal(ks[2], (E, H, I), dtype=jnp.float32) * 0.02,
        "gate_w": jax.random.normal(ks[3], (E, H), dtype=jnp.float32) * 0.02,
        "shared_expert_gate_w": jax.random.normal(ks[4], (1, H), dtype=jnp.float32) * 0.02,
        "shared_gate_up_w": jax.random.normal(ks[5], (2 * S, H), dtype=jnp.float32) * 0.02,
        "shared_down_w": jax.random.normal(ks[6], (H, S), dtype=jnp.float32) * 0.02,
    }


def reference(hidden_states, w13_stacked, w2_stacked, gate_w,
              shared_expert_gate_w, shared_gate_up_w, shared_down_w):
    orig_shape = hidden_states.shape
    x = hidden_states.reshape(-1, H)
    M = x.shape[0]

    # ---- shared expert (Qwen2MoeMLP with merged gate_up + SiluAndMul) ----
    gu = x @ shared_gate_up_w.T                      # [M, 2S]
    shared_out = (_silu(gu[:, :S]) * gu[:, S:]) @ shared_down_w.T  # [M, H]
    shared_weight = jax.nn.sigmoid(x @ shared_expert_gate_w.T)    # [M, 1]
    shared_out = shared_out * shared_weight

    # ---- router: softmax in fp32, then top-k (NOT renormalized) ----
    router_logits = x @ gate_w.T                     # [M, E]
    routing_weights = jax.nn.softmax(router_logits.astype(jnp.float32), axis=-1)
    top_w, top_i = jax.lax.top_k(routing_weights, K)  # [M, K]

    # combine weights per (token, expert): scatter-add of top-k weights
    combine = jnp.zeros((M, E), dtype=jnp.float32).at[
        jnp.arange(M)[:, None], top_i].add(top_w)     # [M, E]

    # ---- expert MLPs (math-equivalent to the fused triton kernels) ----
    h = jnp.einsum('mh,enh->emn', x, w13_stacked)     # [E, M, 2I]
    act = _silu(h[..., :I]) * h[..., I:]              # [E, M, I]
    expert_out = jnp.einsum('emi,ehi->emh', act, w2_stacked)  # [E, M, H]
    sparse_out = jnp.einsum('me,emh->mh', combine, expert_out)  # [M, H] fp32

    out = shared_out + sparse_out.astype(hidden_states.dtype)
    return out.reshape(orig_shape)

if __name__ == "__main__":
    import jax
    _d = setup_inputs()
    print(jax.jit(kernel)(*tuple(_d.values())))

</pallas_src>

<mosaic_0001>
#map = affine_map<(d0, d1) -> (0, 0)>
module attributes {stable_mosaic.version = 14 : i64} {
  func.func @gather2(%arg0: i32, %arg1: i32, %arg2: memref<4096x768xf32, #tpu.memory_space<hbm>>, %arg3: memref<4x2048xf32, #tpu.memory_space<hbm>>, %arg4: memref<2048x768xf32, #tpu.memory_space<hbm>>, %arg5: memref<2048x768xf32, #tpu.memory_space<hbm>>, %arg6: memref<64x768xf32, #tpu.memory_space<vmem>>, %arg7: memref<64xf32, #tpu.memory_space<vmem>>, %arg8: memref<64xi32, #tpu.memory_space<vmem>>, %arg9: memref<!tpu.dma_semaphore, #tpu.memory_space<semaphore_mem>>) attributes {dimension_semantics = [#tpu.dimension_semantics<core_parallel>, #tpu.dimension_semantics<subcore_parallel>], iteration_bounds = array<i64: 2, 16>, scalar_prefetch = 0 : i64, scratch_operands = 4 : i64, tpu.core_type = #tpu.core_type<sc_vector_subcore>, window_params = [{transform_indices = #map}, {transform_indices = #map}, {transform_indices = #map}, {transform_indices = #map}]} {
    %mul3A = arith.constant 2 : i32
    %mul3A_0 = arith.muli %arg1, %mul3A : i32
    %add3A = arith.addi %mul3A_0, %arg0 : i32
    %mul3A_1 = arith.constant 64 : i32
    %mul3A_2 = arith.muli %add3A, %mul3A_1 : i32
    %run_scoped3A = arith.constant 0 : i32
    "tpu.region"() ({
      %run_scoped3A_75 = tpu.sem_alloc : memref<!tpu.dma_semaphore, #tpu.memory_space<semaphore_mem>>
      %dma_start3A_76 = tpu.memref_slice %arg3[%run_scoped3A, %mul3A_2] : memref<4x2048xf32, #tpu.memory_space<hbm>> -> memref<1x64xf32, #tpu.memory_space<hbm>>
      %dma_start3A_77 = tpu.memref_squeeze %dma_start3A_76 : memref<1x64xf32, #tpu.memory_space<hbm>> -> memref<64xf32, #tpu.memory_space<hbm>>
      %dma_start3A_78 = tpu.memref_slice %arg3[%run_scoped3A, %mul3A_2] : memref<4x2048xf32, #tpu.memory_space<hbm>> -> memref<1x64xf32, #tpu.memory_space<hbm>>
      %dma_start3A_79 = tpu.memref_squeeze %dma_start3A_78 : memref<1x64xf32, #tpu.memory_space<hbm>> -> memref<64xf32, #tpu.memory_space<hbm>>
      tpu.enqueue_dma source(%dma_start3A_79 : memref<64xf32, #tpu.memory_space<hbm>>) target(%arg7 : memref<64xf32, #tpu.memory_space<vmem>>) target_semaphore(%run_scoped3A_75 : memref<!tpu.dma_semaphore, #tpu.memory_space<semaphore_mem>>)
      %dma_wait3A_80 = tpu.memref_slice %arg3[%run_scoped3A, %mul3A_2] : memref<4x2048xf32, #tpu.memory_space<hbm>> -> memref<1x64xf32, #tpu.memory_space<hbm>>
      %dma_wait3A_81 = tpu.memref_squeeze %dma_wait3A_80 : memref<1x64xf32, #tpu.memory_space<hbm>> -> memref<64xf32, #tpu.memory_space<hbm>>
      %dma_wait3A_82 = tpu.memref_slice %arg3[%run_scoped3A, %mul3A_2] : memref<4x2048xf32, #tpu.memory_space<hbm>> -> memref<1x64xf32, #tpu.memory_space<hbm>>
      %dma_wait3A_83 = tpu.memref_squeeze %dma_wait3A_82 : memref<1x64xf32, #tpu.memory_space<hbm>> -> memref<64xf32, #tpu.memory_space<hbm>>
      tpu.wait_dma2 semaphore(%run_scoped3A_75 : memref<!tpu.dma_semaphore, #tpu.memory_space<semaphore_mem>>) src(%dma_wait3A_83 : memref<64xf32, #tpu.memory_space<hbm>>) dst(%arg7 : memref<64xf32, #tpu.memory_space<vmem>>)
      tpu.yield
    }) : () -> ()
    %get3A = arith.constant 0 : index
    %get3A_3 = tpu.vector_load %arg7[%get3A] {strides = array<i32>} : memref<64xf32, #tpu.memory_space<vmem>>, vector<16xf32>,
    %get3A_4 = vector.shape_cast %get3A_3 : vector<16xf32> to vector<16xf32>
    %convert_element_type3A = arith.fptosi %get3A_4 : vector<16xf32> to vector<16xi32>
    %swap3A = arith.constant 0 : index
    %swap3A_5 = tpu.vector_load %arg8[%swap3A] {strides = array<i32>} : memref<64xi32, #tpu.memory_space<vmem>>, vector<16xi32>,
    %swap3A_6 = vector.shape_cast %swap3A_5 : vector<16xi32> to vector<16xi32>
    %swap3A_7 = vector.shape_cast %convert_element_type3A : vector<16xi32> to vector<16xi32>
    tpu.vector_store %arg8[%swap3A], %swap3A_7 {strides = array<i32>} : memref<64xi32, #tpu.memory_space<vmem>>, vector<16xi32>,
    %get3A_8 = arith.constant 16 : index
    %get3A_9 = tpu.vector_load %arg7[%get3A_8] {strides = array<i32>} : memref<64xf32, #tpu.memory_space<vmem>>, vector<16xf32>,
    %get3A_10 = vector.shape_cast %get3A_9 : vector<16xf32> to vector<16xf32>
    %convert_element_type3A_11 = arith.fptosi %get3A_10 : vector<16xf32> to vector<16xi32>
    %swap3A_12 = arith.constant 16 : index
    %swap3A_13 = tpu.vector_load %arg8[%swap3A_12] {strides = array<i32>} : memref<64xi32, #tpu.memory_space<vmem>>, vector<16xi32>,
    %swap3A_14 = vector.shape_cast %swap3A_13 : vector<16xi32> to vector<16xi32>
    %swap3A_15 = vector.shape_cast %convert_element_type3A_11 : vector<16xi32> to vector<16xi32>
    tpu.vector_store %arg8[%swap3A_12], %swap3A_15 {strides = array<i32>} : memref<64xi32, #tpu.memory_space<vmem>>, vector<16xi32>,
    %get3A_16 = arith.constant 32 : index
    %get3A_17 = tpu.vector_load %arg7[%get3A_16] {strides = array<i32>} : memref<64xf32, #tpu.memory_space<vmem>>, vector<16xf32>,
    %get3A_18 = vector.shape_cast %get3A_17 : vector<16xf32> to vector<16xf32>
    %convert_element_type3A_19 = arith.fptosi %get3A_18 : vector<16xf32> to vector<16xi32>
    %swap3A_20 = arith.constant 32 : index
    %swap3A_21 = tpu.vector_load %arg8[%swap3A_20] {strides = array<i32>} : memref<64xi32, #tpu.memory_space<vmem>>, vector<16xi32>,
    %swap3A_22 = vector.shape_cast %swap3A_21 : vector<16xi32> to vector<16xi32>
    %swap3A_23 = vector.shape_cast %convert_element_type3A_19 : vector<16xi32> to vector<16xi32>
    tpu.vector_store %arg8[%swap3A_20], %swap3A_23 {strides = array<i32>} : memref<64xi32, #tpu.memory_space<vmem>>, vector<16xi32>,
    %get3A_24 = arith.constant 48 : index
    %get3A_25 = tpu.vector_load %arg7[%get3A_24] {strides = array<i32>} : memref<64xf32, #tpu.memory_space<vmem>>, vector<16xf32>,
    %get3A_26 = vector.shape_cast %get3A_25 : vector<16xf32> to vector<16xf32>
    %convert_element_type3A_27 = arith.fptosi %get3A_26 : vector<16xf32> to vector<16xi32>
    %swap3A_28 = arith.constant 48 : index
    %swap3A_29 = tpu.vector_load %arg8[%swap3A_28] {strides = array<i32>} : memref<64xi32, #tpu.memory_space<vmem>>, vector<16xi32>,
    %swap3A_30 = vector.shape_cast %swap3A_29 : vector<16xi32> to vector<16xi32>
    %swap3A_31 = vector.shape_cast %convert_element_type3A_27 : vector<16xi32> to vector<16xi32>
    tpu.vector_store %arg8[%swap3A_28], %swap3A_31 {strides = array<i32>} : memref<64xi32, #tpu.memory_space<vmem>>, vector<16xi32>,
    %dma_start3A = arith.constant 0 : i32
    %dma_start3A_32 = arith.constant 0 : i32
    %dma_start3A_33 = tpu.memref_slice %arg2[%dma_start3A, %dma_start3A_32] : memref<4096x768xf32, #tpu.memory_space<hbm>> -> memref<4096x768xf32, #tpu.memory_space<hbm>>
    tpu.enqueue_indirect_dma source(%dma_start3A_33 : memref<4096x768xf32, #tpu.memory_space<hbm>>) target(%arg6 : memref<64x768xf32, #tpu.memory_space<vmem>>) offsets(%arg8 : memref<64xi32, #tpu.memory_space<vmem>>) semaphore(%arg9 : memref<!tpu.dma_semaphore, #tpu.memory_space<semaphore_mem>>)
    %dma_wait3A = arith.constant 0 : i32
    %dma_wait3A_34 = arith.constant 0 : i32
    %dma_wait3A_35 = tpu.memref_slice %arg2[%dma_wait3A, %dma_wait3A_34] : memref<4096x768xf32, #tpu.memory_space<hbm>> -> memref<4096x768xf32, #tpu.memory_space<hbm>>
    tpu.wait_indirect_dma semaphore(%arg9 : memref<!tpu.dma_semaphore, #tpu.memory_space<semaphore_mem>>) src(%dma_wait3A_35 : memref<4096x768xf32, #tpu.memory_space<hbm>>) dst(%arg6 : memref<64x768xf32, #tpu.memory_space<vmem>>)
    "tpu.region"() ({
      %run_scoped3A_75 = tpu.sem_alloc : memref<!tpu.dma_semaphore, #tpu.memory_space<semaphore_mem>>
      %dma_start3A_76 = arith.constant 0 : i32
      %dma_start3A_77 = tpu.memref_slice %arg4[%mul3A_2, %dma_start3A_76] : memref<2048x768xf32, #tpu.memory_space<hbm>> -> memref<64x768xf32, #tpu.memory_space<hbm>>
      %dma_start3A_78 = arith.constant 0 : i32
      %dma_start3A_79 = tpu.memref_slice %arg4[%mul3A_2, %dma_start3A_78] : memref<2048x768xf32, #tpu.memory_space<hbm>> -> memref<64x768xf32, #tpu.memory_space<hbm>>
      tpu.enqueue_dma source(%arg6 : memref<64x768xf32, #tpu.memory_space<vmem>>) target(%dma_start3A_79 : memref<64x768xf32, #tpu.memory_space<hbm>>) target_semaphore(%run_scoped3A_75 : memref<!tpu.dma_semaphore, #tpu.memory_space<semaphore_mem>>)
      %dma_wait3A_80 = arith.constant 0 : i32
      %dma_wait3A_81 = tpu.memref_slice %arg4[%mul3A_2, %dma_wait3A_80] : memref<2048x768xf32, #tpu.memory_space<hbm>> -> memref<64x768xf32, #tpu.memory_space<hbm>>
      %dma_wait3A_82 = arith.constant 0 : i32
      %dma_wait3A_83 = tpu.memref_slice %arg4[%mul3A_2, %dma_wait3A_82] : memref<2048x768xf32, #tpu.memory_space<hbm>> -> memref<64x768xf32, #tpu.memory_space<hbm>>
      tpu.wait_dma2 semaphore(%run_scoped3A_75 : memref<!tpu.dma_semaphore, #tpu.memory_space<semaphore_mem>>) src(%arg6 : memref<64x768xf32, #tpu.memory_space<vmem>>) dst(%dma_wait3A_83 : memref<64x768xf32, #tpu.memory_space<hbm>>)
      tpu.yield
    }) : () -> ()
    %run_scoped3A_36 = arith.constant 1 : i32
    "tpu.region"() ({
      %run_scoped3A_75 = tpu.sem_alloc : memref<!tpu.dma_semaphore, #tpu.memory_space<semaphore_mem>>
      %dma_start3A_76 = tpu.memref_slice %arg3[%run_scoped3A_36, %mul3A_2] : memref<4x2048xf32, #tpu.memory_space<hbm>> -> memref<1x64xf32, #tpu.memory_space<hbm>>
      %dma_start3A_77 = tpu.memref_squeeze %dma_start3A_76 : memref<1x64xf32, #tpu.memory_space<hbm>> -> memref<64xf32, #tpu.memory_space<hbm>>
      %dma_start3A_78 = tpu.memref_slice %arg3[%run_scoped3A_36, %mul3A_2] : memref<4x2048xf32, #tpu.memory_space<hbm>> -> memref<1x64xf32, #tpu.memory_space<hbm>>
      %dma_start3A_79 = tpu.memref_squeeze %dma_start3A_78 : memref<1x64xf32, #tpu.memory_space<hbm>> -> memref<64xf32, #tpu.memory_space<hbm>>
      tpu.enqueue_dma source(%dma_start3A_79 : memref<64xf32, #tpu.memory_space<hbm>>) target(%arg7 : memref<64xf32, #tpu.memory_space<vmem>>) target_semaphore(%run_scoped3A_75 : memref<!tpu.dma_semaphore, #tpu.memory_space<semaphore_mem>>)
      %dma_wait3A_80 = tpu.memref_slice %arg3[%run_scoped3A_36, %mul3A_2] : memref<4x2048xf32, #tpu.memory_space<hbm>> -> memref<1x64xf32, #tpu.memory_space<hbm>>
      %dma_wait3A_81 = tpu.memref_squeeze %dma_wait3A_80 : memref<1x64xf32, #tpu.memory_space<hbm>> -> memref<64xf32, #tpu.memory_space<hbm>>
      %dma_wait3A_82 = tpu.memref_slice %arg3[%run_scoped3A_36, %mul3A_2] : memref<4x2048xf32, #tpu.memory_space<hbm>> -> memref<1x64xf32, #tpu.memory_space<hbm>>
      %dma_wait3A_83 = tpu.memref_squeeze %dma_wait3A_82 : memref<1x64xf32, #tpu.memory_space<hbm>> -> memref<64xf32, #tpu.memory_space<hbm>>
      tpu.wait_dma2 semaphore(%run_scoped3A_75 : memref<!tpu.dma_semaphore, #tpu.memory_space<semaphore_mem>>) src(%dma_wait3A_83 : memref<64xf32, #tpu.memory_space<hbm>>) dst(%arg7 : memref<64xf32, #tpu.memory_space<vmem>>)
      tpu.yield
    }) : () -> ()
    %get3A_37 = arith.constant 0 : index
    %get3A_38 = tpu.vector_load %arg7[%get3A_37] {strides = array<i32>} : memref<64xf32, #tpu.memory_space<vmem>>, vector<16xf32>,
    %get3A_39 = vector.shape_cast %get3A_38 : vector<16xf32> to vector<16xf32>
    %convert_element_type3A_40 = arith.fptosi %get3A_39 : vector<16xf32> to vector<16xi32>
    %swap3A_41 = arith.constant 0 : index
    %swap3A_42 = tpu.vector_load %arg8[%swap3A_41] {strides = array<i32>} : memref<64xi32, #tpu.memory_space<vmem>>, vector<16xi32>,
    %swap3A_43 = vector.shape_cast %swap3A_42 : vector<16xi32> to vector<16xi32>
    %swap3A_44 = vector.shape_cast %convert_element_type3A_40 : vector<16xi32> to vector<16xi32>
    tpu.vector_store %arg8[%swap3A_41], %swap3A_44 {strides = array<i32>} : memref<64xi32, #tpu.memory_space<vmem>>, vector<16xi32>,
    %get3A_45 = arith.constant 16 : index
    %get3A_46 = tpu.vector_load %arg7[%get3A_45] {strides = array<i32>} : memref<64xf32, #tpu.memory_space<vmem>>, vector<16xf32>,
    %get3A_47 = vector.shape_cast %get3A_46 : vector<16xf32> to vector<16xf32>
    %convert_element_type3A_48 = arith.fptosi %get3A_47 : vector<16xf32> to vector<16xi32>
    %swap3A_49 = arith.constant 16 : index
    %swap3A_50 = tpu.vector_load %arg8[%swap3A_49] {strides = array<i32>} : memref<64xi32, #tpu.memory_space<vmem>>, vector<16xi32>,
    %swap3A_51 = vector.shape_cast %swap3A_50 : vector<16xi32> to vector<16xi32>
    %swap3A_52 = vector.shape_cast %convert_element_type3A_48 : vector<16xi32> to vector<16xi32>
    tpu.vector_store %arg8[%swap3A_49], %swap3A_52 {strides = array<i32>} : memref<64xi32, #tpu.memory_space<vmem>>, vector<16xi32>,
    %get3A_53 = arith.constant 32 : index
    %get3A_54 = tpu.vector_load %arg7[%get3A_53] {strides = array<i32>} : memref<64xf32, #tpu.memory_space<vmem>>, vector<16xf32>,
    %get3A_55 = vector.shape_cast %get3A_54 : vector<16xf32> to vector<16xf32>
    %convert_element_type3A_56 = arith.fptosi %get3A_55 : vector<16xf32> to vector<16xi32>
    %swap3A_57 = arith.constant 32 : index
    %swap3A_58 = tpu.vector_load %arg8[%swap3A_57] {strides = array<i32>} : memref<64xi32, #tpu.memory_space<vmem>>, vector<16xi32>,
    %swap3A_59 = vector.shape_cast %swap3A_58 : vector<16xi32> to vector<16xi32>
    %swap3A_60 = vector.shape_cast %convert_element_type3A_56 : vector<16xi32> to vector<16xi32>
    tpu.vector_store %arg8[%swap3A_57], %swap3A_60 {strides = array<i32>} : memref<64xi32, #tpu.memory_space<vmem>>, vector<16xi32>,
    %get3A_61 = arith.constant 48 : index
    %get3A_62 = tpu.vector_load %arg7[%get3A_61] {strides = array<i32>} : memref<64xf32, #tpu.memory_space<vmem>>, vector<16xf32>,
    %get3A_63 = vector.shape_cast %get3A_62 : vector<16xf32> to vector<16xf32>
    %convert_element_type3A_64 = arith.fptosi %get3A_63 : vector<16xf32> to vector<16xi32>
    %swap3A_65 = arith.constant 48 : index
    %swap3A_66 = tpu.vector_load %arg8[%swap3A_65] {strides = array<i32>} : memref<64xi32, #tpu.memory_space<vmem>>, vector<16xi32>,
    %swap3A_67 = vector.shape_cast %swap3A_66 : vector<16xi32> to vector<16xi32>
    %swap3A_68 = vector.shape_cast %convert_element_type3A_64 : vector<16xi32> to vector<16xi32>
    tpu.vector_store %arg8[%swap3A_65], %swap3A_68 {strides = array<i32>} : memref<64xi32, #tpu.memory_space<vmem>>, vector<16xi32>,
    %dma_start3A_69 = arith.constant 0 : i32
    %dma_start3A_70 = arith.constant 0 : i32
    %dma_start3A_71 = tpu.memref_slice %arg2[%dma_start3A_69, %dma_start3A_70] : memref<4096x768xf32, #tpu.memory_space<hbm>> -> memref<4096x768xf32, #tpu.memory_space<hbm>>
    tpu.enqueue_indirect_dma source(%dma_start3A_71 : memref<4096x768xf32, #tpu.memory_space<hbm>>) target(%arg6 : memref<64x768xf32, #tpu.memory_space<vmem>>) offsets(%arg8 : memref<64xi32, #tpu.memory_space<vmem>>) semaphore(%arg9 : memref<!tpu.dma_semaphore, #tpu.memory_space<semaphore_mem>>)
    %dma_wait3A_72 = arith.constant 0 : i32
    %dma_wait3A_73 = arith.constant 0 : i32
    %dma_wait3A_74 = tpu.memref_slice %arg2[%dma_wait3A_72, %dma_wait3A_73] : memref<4096x768xf32, #tpu.memory_space<hbm>> -> memref<4096x768xf32, #tpu.memory_space<hbm>>
    tpu.wait_indirect_dma semaphore(%arg9 : memref<!tpu.dma_semaphore, #tpu.memory_space<semaphore_mem>>) src(%dma_wait3A_74 : memref<4096x768xf32, #tpu.memory_space<hbm>>) dst(%arg6 : memref<64x768xf32, #tpu.memory_space<vmem>>)
    "tpu.region"() ({
      %run_scoped3A_75 = tpu.sem_alloc : memref<!tpu.dma_semaphore, #tpu.memory_space<semaphore_mem>>
      %dma_start3A_76 = arith.constant 0 : i32
      %dma_start3A_77 = tpu.memref_slice %arg5[%mul3A_2, %dma_start3A_76] : memref<2048x768xf32, #tpu.memory_space<hbm>> -> memref<64x768xf32, #tpu.memory_space<hbm>>
      %dma_start3A_78 = arith.constant 0 : i32
      %dma_start3A_79 = tpu.memref_slice %arg5[%mul3A_2, %dma_start3A_78] : memref<2048x768xf32, #tpu.memory_space<hbm>> -> memref<64x768xf32, #tpu.memory_space<hbm>>
      tpu.enqueue_dma source(%arg6 : memref<64x768xf32, #tpu.memory_space<vmem>>) target(%dma_start3A_79 : memref<64x768xf32, #tpu.memory_space<hbm>>) target_semaphore(%run_scoped3A_75 : memref<!tpu.dma_semaphore, #tpu.memory_space<semaphore_mem>>)
      %dma_wait3A_80 = arith.constant 0 : i32
      %dma_wait3A_81 = tpu.memref_slice %arg5[%mul3A_2, %dma_wait3A_80] : memref<2048x768xf32, #tpu.memory_space<hbm>> -> memref<64x768xf32, #tpu.memory_space<hbm>>
      %dma_wait3A_82 = arith.constant 0 : i32
      %dma_wait3A_83 = tpu.memref_slice %arg5[%mul3A_2, %dma_wait3A_82] : memref<2048x768xf32, #tpu.memory_space<hbm>> -> memref<64x768xf32, #tpu.memory_space<hbm>>
      tpu.wait_dma2 semaphore(%run_scoped3A_75 : memref<!tpu.dma_semaphore, #tpu.memory_space<semaphore_mem>>) src(%arg6 : memref<64x768xf32, #tpu.memory_space<vmem>>) dst(%dma_wait3A_83 : memref<64x768xf32, #tpu.memory_space<hbm>>)
      tpu.yield
    }) : () -> ()
    return
  }
}

#map = affine_map<(d0, d1) -> (0, 0)>
module attributes {stable_mosaic.version = 14 : i64} {
  func.func @dispatch(%arg0: i32, %arg1: i32, %arg2: memref<2048x768xf32, #tpu.memory_space<hbm>>, %arg3: memref<4x2048xf32, #tpu.memory_space<hbm>>, %arg4: memref<2048x128xf32, #tpu.memory_space<hbm>>, %arg5: memref<2048x128xf32, #tpu.memory_space<hbm>>, %arg6: memref<4096x768xf32, #tpu.memory_space<hbm>>, %arg7: memref<4096x128xf32, #tpu.memory_space<hbm>>, %arg8: memref<64x768xf32, #tpu.memory_space<vmem>>, %arg9: memref<64x128xf32, #tpu.memory_space<vmem>>, %arg10: memref<64x128xf32, #tpu.memory_space<vmem>>, %arg11: memref<64xf32, #tpu.memory_space<vmem>>, %arg12: memref<64xf32, #tpu.memory_space<vmem>>, %arg13: memref<64xi32, #tpu.memory_space<vmem>>, %arg14: memref<64xi32, #tpu.memory_space<vmem>>, %arg15: memref<!tpu.dma_semaphore, #tpu.memory_space<semaphore_mem>>) attributes {dimension_semantics = [#tpu.dimension_semantics<core_parallel>, #tpu.dimension_semantics<subcore_parallel>], iteration_bounds = array<i64: 2, 16>, scalar_prefetch = 0 : i64, scratch_operands = 8 : i64, tpu.core_type = #tpu.core_type<sc_vector_subcore>, window_params = [{transform_indices = #map}, {transform_indices = #map}, {transform_indices = #map}, {transform_indices = #map}, {transform_indices = #map}, {transform_indices = #map}]} {
    %mul3A = arith.constant 2 : i32
    %mul3A_0 = arith.muli %arg1, %mul3A : i32
    %add3A = arith.addi %mul3A_0, %arg0 : i32
    %mul3A_1 = arith.constant 64 : i32
    %mul3A_2 = arith.muli %add3A, %mul3A_1 : i32
    "tpu.region"() ({
      %run_scoped3A_87 = tpu.sem_alloc : memref<!tpu.dma_semaphore, #tpu.memory_space<semaphore_mem>>
      %dma_start3A_88 = arith.constant 0 : i32
      %dma_start3A_89 = tpu.memref_slice %arg2[%mul3A_2, %dma_start3A_88] : memref<2048x768xf32, #tpu.memory_space<hbm>> -> memref<64x768xf32, #tpu.memory_space<hbm>>
      %dma_start3A_90 = arith.constant 0 : i32
      %dma_start3A_91 = tpu.memref_slice %arg2[%mul3A_2, %dma_start3A_90] : memref<2048x768xf32, #tpu.memory_space<hbm>> -> memref<64x768xf32, #tpu.memory_space<hbm>>
      tpu.enqueue_dma source(%dma_start3A_91 : memref<64x768xf32, #tpu.memory_space<hbm>>) target(%arg8 : memref<64x768xf32, #tpu.memory_space<vmem>>) target_semaphore(%run_scoped3A_87 : memref<!tpu.dma_semaphore, #tpu.memory_space<semaphore_mem>>)
      %dma_wait3A_92 = arith.constant 0 : i32
      %dma_wait3A_93 = tpu.memref_slice %arg2[%mul3A_2, %dma_wait3A_92] : memref<2048x768xf32, #tpu.memory_space<hbm>> -> memref<64x768xf32, #tpu.memory_space<hbm>>
      %dma_wait3A_94 = arith.constant 0 : i32
      %dma_wait3A_95 = tpu.memref_slice %arg2[%mul3A_2, %dma_wait3A_94] : memref<2048x768xf32, #tpu.memory_space<hbm>> -> memref<64x768xf32, #tpu.memory_space<hbm>>
      tpu.wait_dma2 semaphore(%run_scoped3A_87 : memref<!tpu.dma_semaphore, #tpu.memory_space<semaphore_mem>>) src(%dma_wait3A_95 : memref<64x768xf32, #tpu.memory_space<hbm>>) dst(%arg8 : memref<64x768xf32, #tpu.memory_space<vmem>>)
      tpu.yield
    }) : () -> ()
    "tpu.region"() ({
      %run_scoped3A_87 = tpu.sem_alloc : memref<!tpu.dma_semaphore, #tpu.memory_space<semaphore_mem>>
      %dma_start3A_88 = arith.constant 0 : i32
      %dma_start3A_89 = tpu.memref_slice %arg4[%mul3A_2, %dma_start3A_88] : memref<2048x128xf32, #tpu.memory_space<hbm>> -> memref<64x128xf32, #tpu.memory_space<hbm>>
      %dma_start3A_90 = arith.constant 0 : i32
      %dma_start3A_91 = tpu.memref_slice %arg4[%mul3A_2, %dma_start3A_90] : memref<2048x128xf32, #tpu.memory_space<hbm>> -> memref<64x128xf32, #tpu.memory_space<hbm>>
      tpu.enqueue_dma source(%dma_start3A_91 : memref<64x128xf32, #tpu.memory_space<hbm>>) target(%arg9 : memref<64x128xf32, #tpu.memory_space<vmem>>) target_semaphore(%run_scoped3A_87 : memref<!tpu.dma_semaphore, #tpu.memory_space<semaphore_mem>>)
      %dma_wait3A_92 = arith.constant 0 : i32
      %dma_wait3A_93 = tpu.memref_slice %arg4[%mul3A_2, %dma_wait3A_92] : memref<2048x128xf32, #tpu.memory_space<hbm>> -> memref<64x128xf32, #tpu.memory_space<hbm>>
      %dma_wait3A_94 = arith.constant 0 : i32
      %dma_wait3A_95 = tpu.memref_slice %arg4[%mul3A_2, %dma_wait3A_94] : memref<2048x128xf32, #tpu.memory_space<hbm>> -> memref<64x128xf32, #tpu.memory_space<hbm>>
      tpu.wait_dma2 semaphore(%run_scoped3A_87 : memref<!tpu.dma_semaphore, #tpu.memory_space<semaphore_mem>>) src(%dma_wait3A_95 : memref<64x128xf32, #tpu.memory_space<hbm>>) dst(%arg9 : memref<64x128xf32, #tpu.memory_space<vmem>>)
      tpu.yield
    }) : () -> ()
    "tpu.region"() ({
      %run_scoped3A_87 = tpu.sem_alloc : memref<!tpu.dma_semaphore, #tpu.memory_space<semaphore_mem>>
      %dma_start3A_88 = arith.constant 0 : i32
      %dma_start3A_89 = tpu.memref_slice %arg5[%mul3A_2, %dma_start3A_88] : memref<2048x128xf32, #tpu.memory_space<hbm>> -> memref<64x128xf32, #tpu.memory_space<hbm>>
      %dma_start3A_90 = arith.constant 0 : i32
      %dma_start3A_91 = tpu.memref_slice %arg5[%mul3A_2, %dma_start3A_90] : memref<2048x128xf32, #tpu.memory_space<hbm>> -> memref<64x128xf32, #tpu.memory_space<hbm>>
      tpu.enqueue_dma source(%dma_start3A_91 : memref<64x128xf32, #tpu.memory_space<hbm>>) target(%arg10 : memref<64x128xf32, #tpu.memory_space<vmem>>) target_semaphore(%run_scoped3A_87 : memref<!tpu.dma_semaphore, #tpu.memory_space<semaphore_mem>>)
      %dma_wait3A_92 = arith.constant 0 : i32
      %dma_wait3A_93 = tpu.memref_slice %arg5[%mul3A_2, %dma_wait3A_92] : memref<2048x128xf32, #tpu.memory_space<hbm>> -> memref<64x128xf32, #tpu.memory_space<hbm>>
      %dma_wait3A_94 = arith.constant 0 : i32
      %dma_wait3A_95 = tpu.memref_slice %arg5[%mul3A_2, %dma_wait3A_94] : memref<2048x128xf32, #tpu.memory_space<hbm>> -> memref<64x128xf32, #tpu.memory_space<hbm>>
      tpu.wait_dma2 semaphore(%run_scoped3A_87 : memref<!tpu.dma_semaphore, #tpu.memory_space<semaphore_mem>>) src(%dma_wait3A_95 : memref<64x128xf32, #tpu.memory_space<hbm>>) dst(%arg10 : memref<64x128xf32, #tpu.memory_space<vmem>>)
      tpu.yield
    }) : () -> ()
    %run_scoped3A = arith.constant 0 : i32
    "tpu.region"() ({
      %run_scoped3A_87 = tpu.sem_alloc : memref<!tpu.dma_semaphore, #tpu.memory_space<semaphore_mem>>
      %dma_start3A_88 = tpu.memref_slice %arg3[%run_scoped3A, %mul3A_2] : memref<4x2048xf32, #tpu.memory_space<hbm>> -> memref<1x64xf32, #tpu.memory_space<hbm>>
      %dma_start3A_89 = tpu.memref_squeeze %dma_start3A_88 : memref<1x64xf32, #tpu.memory_space<hbm>> -> memref<64xf32, #tpu.memory_space<hbm>>
      %dma_start3A_90 = tpu.memref_slice %arg3[%run_scoped3A, %mul3A_2] : memref<4x2048xf32, #tpu.memory_space<hbm>> -> memref<1x64xf32, #tpu.memory_space<hbm>>
      %dma_start3A_91 = tpu.memref_squeeze %dma_start3A_90 : memref<1x64xf32, #tpu.memory_space<hbm>> -> memref<64xf32, #tpu.memory_space<hbm>>
      tpu.enqueue_dma source(%dma_start3A_91 : memref<64xf32, #tpu.memory_space<hbm>>) target(%arg11 : memref<64xf32, #tpu.memory_space<vmem>>) target_semaphore(%run_scoped3A_87 : memref<!tpu.dma_semaphore, #tpu.memory_space<semaphore_mem>>)
      %dma_wait3A_92 = tpu.memref_slice %arg3[%run_scoped3A, %mul3A_2] : memref<4x2048xf32, #tpu.memory_space<hbm>> -> memref<1x64xf32, #tpu.memory_space<hbm>>
      %dma_wait3A_93 = tpu.memref_squeeze %dma_wait3A_92 : memref<1x64xf32, #tpu.memory_space<hbm>> -> memref<64xf32, #tpu.memory_space<hbm>>
      %dma_wait3A_94 = tpu.memref_slice %arg3[%run_scoped3A, %mul3A_2] : memref<4x2048xf32, #tpu.memory_space<hbm>> -> memref<1x64xf32, #tpu.memory_space<hbm>>
      %dma_wait3A_95 = tpu.memref_squeeze %dma_wait3A_94 : memref<1x64xf32, #tpu.memory_space<hbm>> -> memref<64xf32, #tpu.memory_space<hbm>>
      tpu.wait_dma2 semaphore(%run_scoped3A_87 : memref<!tpu.dma_semaphore, #tpu.memory_space<semaphore_mem>>) src(%dma_wait3A_95 : memref<64xf32, #tpu.memory_space<hbm>>) dst(%arg11 : memref<64xf32, #tpu.memory_space<vmem>>)
      tpu.yield
    }) : () -> ()
    %run_scoped3A_3 = arith.constant 1 : i32
    "tpu.region"() ({
      %run_scoped3A_87 = tpu.sem_alloc : memref<!tpu.dma_semaphore, #tpu.memory_space<semaphore_mem>>
      %dma_start3A_88 = tpu.memref_slice %arg3[%run_scoped3A_3, %mul3A_2] : memref<4x2048xf32, #tpu.memory_space<hbm>> -> memref<1x64xf32, #tpu.memory_space<hbm>>
      %dma_start3A_89 = tpu.memref_squeeze %dma_start3A_88 : memref<1x64xf32, #tpu.memory_space<hbm>> -> memref<64xf32, #tpu.memory_space<hbm>>
      %dma_start3A_90 = tpu.memref_slice %arg3[%run_scoped3A_3, %mul3A_2] : memref<4x2048xf32, #tpu.memory_space<hbm>> -> memref<1x64xf32, #tpu.memory_space<hbm>>
      %dma_start3A_91 = tpu.memref_squeeze %dma_start3A_90 : memref<1x64xf32, #tpu.memory_space<hbm>> -> memref<64xf32, #tpu.memory_space<hbm>>
      tpu.enqueue_dma source(%dma_start3A_91 : memref<64xf32, #tpu.memory_space<hbm>>) target(%arg12 : memref<64xf32, #tpu.memory_space<vmem>>) target_semaphore(%run_scoped3A_87 : memref<!tpu.dma_semaphore, #tpu.memory_space<semaphore_mem>>)
      %dma_wait3A_92 = tpu.memref_slice %arg3[%run_scoped3A_3, %mul3A_2] : memref<4x2048xf32, #tpu.memory_space<hbm>> -> memref<1x64xf32, #tpu.memory_space<hbm>>
      %dma_wait3A_93 = tpu.memref_squeeze %dma_wait3A_92 : memref<1x64xf32, #tpu.memory_space<hbm>> -> memref<64xf32, #tpu.memory_space<hbm>>
      %dma_wait3A_94 = tpu.memref_slice %arg3[%run_scoped3A_3, %mul3A_2] : memref<4x2048xf32, #tpu.memory_space<hbm>> -> memref<1x64xf32, #tpu.memory_space<hbm>>
      %dma_wait3A_95 = tpu.memref_squeeze %dma_wait3A_94 : memref<1x64xf32, #tpu.memory_space<hbm>> -> memref<64xf32, #tpu.memory_space<hbm>>
      tpu.wait_dma2 semaphore(%run_scoped3A_87 : memref<!tpu.dma_semaphore, #tpu.memory_space<semaphore_mem>>) src(%dma_wait3A_95 : memref<64xf32, #tpu.memory_space<hbm>>) dst(%arg12 : memref<64xf32, #tpu.memory_space<vmem>>)
      tpu.yield
    }) : () -> ()
    %get3A = arith.constant 0 : index
    %get3A_4 = tpu.vector_load %arg11[%get3A] {strides = array<i32>} : memref<64xf32, #tpu.memory_space<vmem>>, vector<16xf32>,
    %get3A_5 = vector.shape_cast %get3A_4 : vector<16xf32> to vector<16xf32>
    %convert_element_type3A = arith.fptosi %get3A_5 : vector<16xf32> to vector<16xi32>
    %swap3A = arith.constant 0 : index
    %swap3A_6 = tpu.vector_load %arg13[%swap3A] {strides = array<i32>} : memref<64xi32, #tpu.memory_space<vmem>>, vector<16xi32>,
    %swap3A_7 = vector.shape_cast %swap3A_6 : vector<16xi32> to vector<16xi32>
    %swap3A_8 = vector.shape_cast %convert_element_type3A : vector<16xi32> to vector<16xi32>
    tpu.vector_store %arg13[%swap3A], %swap3A_8 {strides = array<i32>} : memref<64xi32, #tpu.memory_space<vmem>>, vector<16xi32>,
    %get3A_9 = arith.constant 0 : index
    %get3A_10 = tpu.vector_load %arg12[%get3A_9] {strides = array<i32>} : memref<64xf32, #tpu.memory_space<vmem>>, vector<16xf32>,
    %get3A_11 = vector.shape_cast %get3A_10 : vector<16xf32> to vector<16xf32>
    %convert_element_type3A_12 = arith.fptosi %get3A_11 : vector<16xf32> to vector<16xi32>
    %swap3A_13 = arith.constant 0 : index
    %swap3A_14 = tpu.vector_load %arg14[%swap3A_13] {strides = array<i32>} : memref<64xi32, #tpu.memory_space<vmem>>, vector<16xi32>,
    %swap3A_15 = vector.shape_cast %swap3A_14 : vector<16xi32> to vector<16xi32>
    %swap3A_16 = vector.shape_cast %convert_element_type3A_12 : vector<16xi32> to vector<16xi32>
    tpu.vector_store %arg14[%swap3A_13], %swap3A_16 {strides = array<i32>} : memref<64xi32, #tpu.memory_space<vmem>>, vector<16xi32>,
    %get3A_17 = arith.constant 16 : index
    %get3A_18 = tpu.vector_load %arg11[%get3A_17] {strides = array<i32>} : memref<64xf32, #tpu.memory_space<vmem>>, vector<16xf32>,
    %get3A_19 = vector.shape_cast %get3A_18 : vector<16xf32> to vector<16xf32>
    %convert_element_type3A_20 = arith.fptosi %get3A_19 : vector<16xf32> to vector<16xi32>
    %swap3A_21 = arith.constant 16 : index
    %swap3A_22 = tpu.vector_load %arg13[%swap3A_21] {strides = array<i32>} : memref<64xi32, #tpu.memory_space<vmem>>, vector<16xi32>,
    %swap3A_23 = vector.shape_cast %swap3A_22 : vector<16xi32> to vector<16xi32>
    %swap3A_24 = vector.shape_cast %convert_element_type3A_20 : vector<16xi32> to vector<16xi32>
    tpu.vector_store %arg13[%swap3A_21], %swap3A_24 {strides = array<i32>} : memref<64xi32, #tpu.memory_space<vmem>>, vector<16xi32>,
    %get3A_25 = arith.constant 16 : index
    %get3A_26 = tpu.vector_load %arg12[%get3A_25] {strides = array<i32>} : memref<64xf32, #tpu.memory_space<vmem>>, vector<16xf32>,
    %get3A_27 = vector.shape_cast %get3A_26 : vector<16xf32> to vector<16xf32>
    %convert_element_type3A_28 = arith.fptosi %get3A_27 : vector<16xf32> to vector<16xi32>
    %swap3A_29 = arith.constant 16 : index
    %swap3A_30 = tpu.vector_load %arg14[%swap3A_29] {strides = array<i32>} : memref<64xi32, #tpu.memory_space<vmem>>, vector<16xi32>,
    %swap3A_31 = vector.shape_cast %swap3A_30 : vector<16xi32> to vector<16xi32>
    %swap3A_32 = vector.shape_cast %convert_element_type3A_28 : vector<16xi32> to vector<16xi32>
    tpu.vector_store %arg14[%swap3A_29], %swap3A_32 {strides = array<i32>} : memref<64xi32, #tpu.memory_space<vmem>>, vector<16xi32>,
    %get3A_33 = arith.constant 32 : index
    %get3A_34 = tpu.vector_load %arg11[%get3A_33] {strides = array<i32>} : memref<64xf32, #tpu.memory_space<vmem>>, vector<16xf32>,
    %get3A_35 = vector.shape_cast %get3A_34 : vector<16xf32> to vector<16xf32>
    %convert_element_type3A_36 = arith.fptosi %get3A_35 : vector<16xf32> to vector<16xi32>
    %swap3A_37 = arith.constant 32 : index
    %swap3A_38 = tpu.vector_load %arg13[%swap3A_37] {strides = array<i32>} : memref<64xi32, #tpu.memory_space<vmem>>, vector<16xi32>,
    %swap3A_39 = vector.shape_cast %swap3A_38 : vector<16xi32> to vector<16xi32>
    %swap3A_40 = vector.shape_cast %convert_element_type3A_36 : vector<16xi32> to vector<16xi32>
    tpu.vector_store %arg13[%swap3A_37], %swap3A_40 {strides = array<i32>} : memref<64xi32, #tpu.memory_space<vmem>>, vector<16xi32>,
    %get3A_41 = arith.constant 32 : index
    %get3A_42 = tpu.vector_load %arg12[%get3A_41] {strides = array<i32>} : memref<64xf32, #tpu.memory_space<vmem>>, vector<16xf32>,
    %get3A_43 = vector.shape_cast %get3A_42 : vector<16xf32> to vector<16xf32>
    %convert_element_type3A_44 = arith.fptosi %get3A_43 : vector<16xf32> to vector<16xi32>
    %swap3A_45 = arith.constant 32 : index
    %swap3A_46 = tpu.vector_load %arg14[%swap3A_45] {strides = array<i32>} : memref<64xi32, #tpu.memory_space<vmem>>, vector<16xi32>,
    %swap3A_47 = vector.shape_cast %swap3A_46 : vector<16xi32> to vector<16xi32>
    %swap3A_48 = vector.shape_cast %convert_element_type3A_44 : vector<16xi32> to vector<16xi32>
    tpu.vector_store %arg14[%swap3A_45], %swap3A_48 {strides = array<i32>} : memref<64xi32, #tpu.memory_space<vmem>>, vector<16xi32>,
    %get3A_49 = arith.constant 48 : index
    %get3A_50 = tpu.vector_load %arg11[%get3A_49] {strides = array<i32>} : memref<64xf32, #tpu.memory_space<vmem>>, vector<16xf32>,
    %get3A_51 = vector.shape_cast %get3A_50 : vector<16xf32> to vector<16xf32>
    %convert_element_type3A_52 = arith.fptosi %get3A_51 : vector<16xf32> to vector<16xi32>
    %swap3A_53 = arith.constant 48 : index
    %swap3A_54 = tpu.vector_load %arg13[%swap3A_53] {strides = array<i32>} : memref<64xi32, #tpu.memory_space<vmem>>, vector<16xi32>,
    %swap3A_55 = vector.shape_cast %swap3A_54 : vector<16xi32> to vector<16xi32>
    %swap3A_56 = vector.shape_cast %convert_element_type3A_52 : vector<16xi32> to vector<16xi32>
    tpu.vector_store %arg13[%swap3A_53], %swap3A_56 {strides = array<i32>} : memref<64xi32, #tpu.memory_space<vmem>>, vector<16xi32>,
    %get3A_57 = arith.constant 48 : index
    %get3A_58 = tpu.vector_load %arg12[%get3A_57] {strides = array<i32>} : memref<64xf32, #tpu.memory_space<vmem>>, vector<16xf32>,
    %get3A_59 = vector.shape_cast %get3A_58 : vector<16xf32> to vector<16xf32>
    %convert_element_type3A_60 = arith.fptosi %get3A_59 : vector<16xf32> to vector<16xi32>
    %swap3A_61 = arith.constant 48 : index
    %swap3A_62 = tpu.vector_load %arg14[%swap3A_61] {strides = array<i32>} : memref<64xi32, #tpu.memory_space<vmem>>, vector<16xi32>,
    %swap3A_63 = vector.shape_cast %swap3A_62 : vector<16xi32> to vector<16xi32>
    %swap3A_64 = vector.shape_cast %convert_element_type3A_60 : vector<16xi32> to vector<16xi32>
    tpu.vector_store %arg14[%swap3A_61], %swap3A_64 {strides = array<i32>} : memref<64xi32, #tpu.memory_space<vmem>>, vector<16xi32>,
    %dma_start3A = arith.constant 0 : i32
    %dma_start3A_65 = arith.constant 0 : i32
    %dma_start3A_66 = tpu.memref_slice %arg6[%dma_start3A, %dma_start3A_65] : memref<4096x768xf32, #tpu.memory_space<hbm>> -> memref<4096x768xf32, #tpu.memory_space<hbm>>
    tpu.enqueue_indirect_dma source(%arg8 : memref<64x768xf32, #tpu.memory_space<vmem>>) target(%dma_start3A_66 : memref<4096x768xf32, #tpu.memory_space<hbm>>) offsets(%arg13 : memref<64xi32, #tpu.memory_space<vmem>>) semaphore(%arg15 : memref<!tpu.dma_semaphore, #tpu.memory_space<semaphore_mem>>)
    %dma_wait3A = arith.constant 0 : i32
    %dma_wait3A_67 = arith.constant 0 : i32
    %dma_wait3A_68 = tpu.memref_slice %arg6[%dma_wait3A, %dma_wait3A_67] : memref<4096x768xf32, #tpu.memory_space<hbm>> -> memref<4096x768xf32, #tpu.memory_space<hbm>>
    tpu.wait_indirect_dma semaphore(%arg15 : memref<!tpu.dma_semaphore, #tpu.memory_space<semaphore_mem>>) src(%arg8 : memref<64x768xf32, #tpu.memory_space<vmem>>) dst(%dma_wait3A_68 : memref<4096x768xf32, #tpu.memory_space<hbm>>)
    %dma_start3A_69 = arith.constant 0 : i32
    %dma_start3A_70 = arith.constant 0 : i32
    %dma_start3A_71 = tpu.memref_slice %arg6[%dma_start3A_69, %dma_start3A_70] : memref<4096x768xf32, #tpu.memory_space<hbm>> -> memref<4096x768xf32, #tpu.memory_space<hbm>>
    tpu.enqueue_indirect_dma source(%arg8 : memref<64x768xf32, #tpu.memory_space<vmem>>) target(%dma_start3A_71 : memref<4096x768xf32, #tpu.memory_space<hbm>>) offsets(%arg14 : memref<64xi32, #tpu.memory_space<vmem>>) semaphore(%arg15 : memref<!tpu.dma_semaphore, #tpu.memory_space<semaphore_mem>>)
    %dma_wait3A_72 = arith.constant 0 : i32
    %dma_wait3A_73 = arith.constant 0 : i32
    %dma_wait3A_74 = tpu.memref_slice %arg6[%dma_wait3A_72, %dma_wait3A_73] : memref<4096x768xf32, #tpu.memory_space<hbm>> -> memref<4096x768xf32, #tpu.memory_space<hbm>>
    tpu.wait_indirect_dma semaphore(%arg15 : memref<!tpu.dma_semaphore, #tpu.memory_space<semaphore_mem>>) src(%arg8 : memref<64x768xf32, #tpu.memory_space<vmem>>) dst(%dma_wait3A_74 : memref<4096x768xf32, #tpu.memory_space<hbm>>)
    %dma_start3A_75 = arith.constant 0 : i32
    %dma_start3A_76 = arith.constant 0 : i32
    %dma_start3A_77 = tpu.memref_slice %arg7[%dma_start3A_75, %dma_start3A_76] : memref<4096x128xf32, #tpu.memory_space<hbm>> -> memref<4096x128xf32, #tpu.memory_space<hbm>>
    tpu.enqueue_indirect_dma source(%arg9 : memref<64x128xf32, #tpu.memory_space<vmem>>) target(%dma_start3A_77 : memref<4096x128xf32, #tpu.memory_space<hbm>>) offsets(%arg13 : memref<64xi32, #tpu.memory_space<vmem>>) semaphore(%arg15 : memref<!tpu.dma_semaphore, #tpu.memory_space<semaphore_mem>>)
    %dma_wait3A_78 = arith.constant 0 : i32
    %dma_wait3A_79 = arith.constant 0 : i32
    %dma_wait3A_80 = tpu.memref_slice %arg7[%dma_wait3A_78, %dma_wait3A_79] : memref<4096x128xf32, #tpu.memory_space<hbm>> -> memref<4096x128xf32, #tpu.memory_space<hbm>>
    tpu.wait_indirect_dma semaphore(%arg15 : memref<!tpu.dma_semaphore, #tpu.memory_space<semaphore_mem>>) src(%arg9 : memref<64x128xf32, #tpu.memory_space<vmem>>) dst(%dma_wait3A_80 : memref<4096x128xf32, #tpu.memory_space<hbm>>)
    %dma_start3A_81 = arith.constant 0 : i32
    %dma_start3A_82 = arith.constant 0 : i32
    %dma_start3A_83 = tpu.memref_slice %arg7[%dma_start3A_81, %dma_start3A_82] : memref<4096x128xf32, #tpu.memory_space<hbm>> -> memref<4096x128xf32, #tpu.memory_space<hbm>>
    tpu.enqueue_indirect_dma source(%arg10 : memref<64x128xf32, #tpu.memory_space<vmem>>) target(%dma_start3A_83 : memref<4096x128xf32, #tpu.memory_space<hbm>>) offsets(%arg14 : memref<64xi32, #tpu.memory_space<vmem>>) semaphore(%arg15 : memref<!tpu.dma_semaphore, #tpu.memory_space<semaphore_mem>>)
    %dma_wait3A_84 = arith.constant 0 : i32
    %dma_wait3A_85 = arith.constant 0 : i32
    %dma_wait3A_86 = tpu.memref_slice %arg7[%dma_wait3A_84, %dma_wait3A_85] : memref<4096x128xf32, #tpu.memory_space<hbm>> -> memref<4096x128xf32, #tpu.memory_space<hbm>>
    tpu.wait_indirect_dma semaphore(%arg15 : memref<!tpu.dma_semaphore, #tpu.memory_space<semaphore_mem>>) src(%arg10 : memref<64x128xf32, #tpu.memory_space<vmem>>) dst(%dma_wait3A_86 : memref<4096x128xf32, #tpu.memory_space<hbm>>)
    return
  }
}

module attributes {stable_mosaic.version = 14 : i64} {
  func.func @_router_body(%arg0: i32, %arg1: memref<2048x768xf32, #tpu.memory_space<vmem>>, %arg2: memref<8x768xf32, #tpu.memory_space<vmem>>, %arg3: memref<4x2048xf32, #tpu.memory_space<vmem>>, %arg4: memref<8x1xf32, #tpu.memory_space<vmem>>, %arg5: memref<2048x128xf32, #tpu.memory_space<vmem>>, %arg6: memref<2048x128xf32, #tpu.memory_space<vmem>>) attributes {dimension_semantics = [#tpu.dimension_semantics<arbitrary>], iteration_bounds = array<i64: 1>, scalar_prefetch = 0 : i64, scratch_operands = 0 : i64, tpu.core_type = #tpu.core_type<tc>, window_params = [{pipeline_mode = #tpu.pipeline_mode<synchronous>, transform_indices = @transform_0, window_bounds = array<i64: 2048, 768>}, {pipeline_mode = #tpu.pipeline_mode<synchronous>, transform_indices = @transform_1, window_bounds = array<i64: 8, 768>}, {pipeline_mode = #tpu.pipeline_mode<synchronous>, transform_indices = @transform_2, window_bounds = array<i64: 4, 2048>}, {pipeline_mode = #tpu.pipeline_mode<synchronous>, transform_indices = @transform_3, window_bounds = array<i64: 8, 1>}, {pipeline_mode = #tpu.pipeline_mode<synchronous>, transform_indices = @transform_4, window_bounds = array<i64: 2048, 128>}, {pipeline_mode = #tpu.pipeline_mode<synchronous>, transform_indices = @transform_5, window_bounds = array<i64: 2048, 128>}]} {
    %get3A = arith.constant 0 : index
    %get3A_0 = arith.constant 0 : index
    %get3A_1 = vector.load %arg1[%get3A, %get3A_0] : memref<2048x768xf32, #tpu.memory_space<vmem>>, vector<2048x768xf32>
    %convert_element_type3A = arith.truncf %get3A_1 : vector<2048x768xf32> to vector<2048x768xbf16>
    %get3A_2 = arith.constant 0 : index
    %get3A_3 = arith.constant 0 : index
    %get3A_4 = vector.load %arg2[%get3A_2, %get3A_3] : memref<8x768xf32, #tpu.memory_space<vmem>>, vector<8x768xf32>
    %convert_element_type3A_5 = arith.truncf %get3A_4 : vector<8x768xf32> to vector<8x768xbf16>
    %dot_general3A = arith.constant dense<0.000000e+00> : vector<8x2048xf32>
    %dot_general3A_6 = tpu.matmul %convert_element_type3A_5, %convert_element_type3A, %dot_general3A {dimension_numbers = #tpu.dot_dimension_numbers<[1], [1], [0], [0], [0, 0, 1, 0], [], []>, transpose_lhs_hint = false} : vector<8x768xbf16>, vector<2048x768xbf16>, vector<8x2048xf32> -> vector<8x2048xf32>
    %reduce_max3A = arith.constant dense<0xFF800000> : vector<2048xf32>
    %reduce_max3A_7 = vector.multi_reduction <maximumf>, %dot_general3A_6, %reduce_max3A [0] : vector<8x2048xf32> to vector<2048xf32>
    %broadcast_in_dim3A = vector.shape_cast %reduce_max3A_7 : vector<2048xf32> to vector<1x2048xf32>
    %sub3A = vector.broadcast %broadcast_in_dim3A : vector<1x2048xf32> to vector<8x2048xf32>
    %sub3A_8 = arith.subf %dot_general3A_6, %sub3A : vector<8x2048xf32>
    %exp3A = math.exp %sub3A_8 : vector<8x2048xf32>
    %reduce_sum3A = arith.constant dense<0.000000e+00> : vector<2048xf32>
    %reduce_sum3A_9 = vector.multi_reduction <add>, %exp3A, %reduce_sum3A [0] : vector<8x2048xf32> to vector<2048xf32>
    %broadcast_in_dim3A_10 = vector.shape_cast %reduce_sum3A_9 : vector<2048xf32> to vector<1x2048xf32>
    %div3A = vector.broadcast %broadcast_in_dim3A_10 : vector<1x2048xf32> to vector<8x2048xf32>
    %div3A_11 = arith.divf %exp3A, %div3A : vector<8x2048xf32>
    %iota3A = tpu.iota {dimensions = array<i32: 0>} : vector<8x2048xi32>
    %reduce_max3A_12 = arith.constant dense<0xFF800000> : vector<2048xf32>
    %reduce_max3A_13 = vector.multi_reduction <maximumf>, %div3A_11, %reduce_max3A_12 [0] : vector<8x2048xf32> to vector<2048xf32>
    %broadcast_in_dim3A_14 = vector.shape_cast %reduce_max3A_13 : vector<2048xf32> to vector<1x2048xf32>
    %eq3A = vector.broadcast %broadcast_in_dim3A_14 : vector<1x2048xf32> to vector<8x2048xf32>
    %eq3A_15 = arith.cmpf oeq, %div3A_11, %eq3A : vector<8x2048xf32>
    %jit3A = arith.constant 8 : i32
    %broadcast_in_dim3A_16 = vector.broadcast %jit3A : i32 to vector<8x2048xi32>
    %select_n3A = arith.select %eq3A_15, %iota3A, %broadcast_in_dim3A_16 : vector<8x2048xi1>, vector<8x2048xi32>
    %reduce_min3A = arith.constant dense<2147483647> : vector<2048xi32>
    %reduce_min3A_17 = vector.multi_reduction <minsi>, %select_n3A, %reduce_min3A [0] : vector<8x2048xi32> to vector<2048xi32>
    %broadcast_in_dim3A_18 = vector.shape_cast %reduce_min3A_17 : vector<2048xi32> to vector<1x2048xi32>
    %eq3A_19 = vector.broadcast %broadcast_in_dim3A_18 : vector<1x2048xi32> to vector<8x2048xi32>
    %eq3A_20 = arith.cmpi eq, %iota3A, %eq3A_19 : vector<8x2048xi32>
    %jit3A_21 = arith.constant -1.000000e+00 : f32
    %broadcast_in_dim3A_22 = vector.broadcast %jit3A_21 : f32 to vector<8x2048xf32>
    %select_n3A_23 = arith.select %eq3A_20, %broadcast_in_dim3A_22, %div3A_11 : vector<8x2048xi1>, vector<8x2048xf32>
    %reduce_max3A_24 = arith.constant dense<0xFF800000> : vector<2048xf32>
    %reduce_max3A_25 = vector.multi_reduction <maximumf>, %select_n3A_23, %reduce_max3A_24 [0] : vector<8x2048xf32> to vector<2048xf32>
    %broadcast_in_dim3A_26 = vector.shape_cast %reduce_max3A_25 : vector<2048xf32> to vector<1x2048xf32>
    %eq3A_27 = vector.broadcast %broadcast_in_dim3A_26 : vector<1x2048xf32> to vector<8x2048xf32>
    %eq3A_28 = arith.cmpf oeq, %select_n3A_23, %eq3A_27 : vector<8x2048xf32>
    %jit3A_29 = arith.constant 8 : i32
    %broadcast_in_dim3A_30 = vector.broadcast %jit3A_29 : i32 to vector<8x2048xi32>
    %select_n3A_31 = arith.select %eq3A_28, %iota3A, %broadcast_in_dim3A_30 : vector<8x2048xi1>, vector<8x2048xi32>
    %reduce_min3A_32 = arith.constant dense<2147483647> : vector<2048xi32>
    %reduce_min3A_33 = vector.multi_reduction <minsi>, %select_n3A_31, %reduce_min3A_32 [0] : vector<8x2048xi32> to vector<2048xi32>
    %broadcast_in_dim3A_34 = vector.shape_cast %reduce_min3A_33 : vector<2048xi32> to vector<1x2048xi32>
    %eq3A_35 = vector.broadcast %broadcast_in_dim3A_18 : vector<1x2048xi32> to vector<8x2048xi32>
    %eq3A_36 = arith.cmpi eq, %iota3A, %eq3A_35 : vector<8x2048xi32>
    %eq3A_37 = vector.broadcast %broadcast_in_dim3A_34 : vector<1x2048xi32> to vector<8x2048xi32>
    %eq3A_38 = arith.cmpi eq, %iota3A, %eq3A_37 : vector<8x2048xi32>
    %or3A = arith.ori %eq3A_36, %eq3A_38 : vector<8x2048xi1>
    %convert_element_type3A_39 = arith.extui %or3A : vector<8x2048xi1> to vector<8x2048xi32>
    %convert_element_type3A_40 = arith.sitofp %convert_element_type3A_39 : vector<8x2048xi32> to vector<8x2048xf32>
    %broadcast_in_dim3A_41 = arith.constant 0.000000e+00 : f32
    %broadcast_in_dim3A_42 = vector.broadcast %broadcast_in_dim3A_41 : f32 to vector<8x1xf32>
    %slice3A = vector.extract_strided_slice %convert_element_type3A_40 {offsets = [0, 0], sizes = [8, 2047], strides = [1, 1]} : vector<8x2048xf32> to vector<8x2047xf32>
    %concatenate3A = tpu.concatenate %broadcast_in_dim3A_42, %slice3A in 1 : vector<8x1xf32>, vector<8x2047xf32> -> vector<8x2048xf32>
    %add3A = arith.addf %convert_element_type3A_40, %concatenate3A : vector<8x2048xf32>
    %broadcast_in_dim3A_43 = arith.constant 0.000000e+00 : f32
    %broadcast_in_dim3A_44 = vector.broadcast %broadcast_in_dim3A_43 : f32 to vector<8x2xf32>
    %slice3A_45 = vector.extract_strided_slice %add3A {offsets = [0, 0], sizes = [8, 2046], strides = [1, 1]} : vector<8x2048xf32> to vector<8x2046xf32>
    %concatenate3A_46 = tpu.concatenate %broadcast_in_dim3A_44, %slice3A_45 in 1 : vector<8x2xf32>, vector<8x2046xf32> -> vector<8x2048xf32>
    %add3A_47 = arith.addf %add3A, %concatenate3A_46 : vector<8x2048xf32>
    %broadcast_in_dim3A_48 = arith.constant 0.000000e+00 : f32
    %broadcast_in_dim3A_49 = vector.broadcast %broadcast_in_dim3A_48 : f32 to vector<8x4xf32>
    %slice3A_50 = vector.extract_strided_slice %add3A_47 {offsets = [0, 0], sizes = [8, 2044], strides = [1, 1]} : vector<8x2048xf32> to vector<8x2044xf32>
    %concatenate3A_51 = tpu.concatenate %broadcast_in_dim3A_49, %slice3A_50 in 1 : vector<8x4xf32>, vector<8x2044xf32> -> vector<8x2048xf32>
    %add3A_52 = arith.addf %add3A_47, %concatenate3A_51 : vector<8x2048xf32>
    %broadcast_in_dim3A_53 = arith.constant 0.000000e+00 : f32
    %broadcast_in_dim3A_54 = vector.broadcast %broadcast_in_dim3A_53 : f32 to vector<8x8xf32>
    %slice3A_55 = vector.extract_strided_slice %add3A_52 {offsets = [0, 0], sizes = [8, 2040], strides = [1, 1]} : vector<8x2048xf32> to vector<8x2040xf32>
    %concatenate3A_56 = tpu.concatenate %broadcast_in_dim3A_54, %slice3A_55 in 1 : vector<8x8xf32>, vector<8x2040xf32> -> vector<8x2048xf32>
    %add3A_57 = arith.addf %add3A_52, %concatenate3A_56 : vector<8x2048xf32>
    %broadcast_in_dim3A_58 = arith.constant 0.000000e+00 : f32
    %broadcast_in_dim3A_59 = vector.broadcast %broadcast_in_dim3A_58 : f32 to vector<8x16xf32>
    %slice3A_60 = vector.extract_strided_slice %add3A_57 {offsets = [0, 0], sizes = [8, 2032], strides = [1, 1]} : vector<8x2048xf32> to vector<8x2032xf32>
    %concatenate3A_61 = tpu.concatenate %broadcast_in_dim3A_59, %slice3A_60 in 1 : vector<8x16xf32>, vector<8x2032xf32> -> vector<8x2048xf32>
    %add3A_62 = arith.addf %add3A_57, %concatenate3A_61 : vector<8x2048xf32>
    %broadcast_in_dim3A_63 = arith.constant 0.000000e+00 : f32
    %broadcast_in_dim3A_64 = vector.broadcast %broadcast_in_dim3A_63 : f32 to vector<8x32xf32>
    %slice3A_65 = vector.extract_strided_slice %add3A_62 {offsets = [0, 0], sizes = [8, 2016], strides = [1, 1]} : vector<8x2048xf32> to vector<8x2016xf32>
    %concatenate3A_66 = tpu.concatenate %broadcast_in_dim3A_64, %slice3A_65 in 1 : vector<8x32xf32>, vector<8x2016xf32> -> vector<8x2048xf32>
    %add3A_67 = arith.addf %add3A_62, %concatenate3A_66 : vector<8x2048xf32>
    %broadcast_in_dim3A_68 = arith.constant 0.000000e+00 : f32
    %broadcast_in_dim3A_69 = vector.broadcast %broadcast_in_dim3A_68 : f32 to vector<8x64xf32>
    %slice3A_70 = vector.extract_strided_slice %add3A_67 {offsets = [0, 0], sizes = [8, 1984], strides = [1, 1]} : vector<8x2048xf32> to vector<8x1984xf32>
    %concatenate3A_71 = tpu.concatenate %broadcast_in_dim3A_69, %slice3A_70 in 1 : vector<8x64xf32>, vector<8x1984xf32> -> vector<8x2048xf32>
    %add3A_72 = arith.addf %add3A_67, %concatenate3A_71 : vector<8x2048xf32>
    %broadcast_in_dim3A_73 = arith.constant 0.000000e+00 : f32
    %broadcast_in_dim3A_74 = vector.broadcast %broadcast_in_dim3A_73 : f32 to vector<8x128xf32>
    %slice3A_75 = vector.extract_strided_slice %add3A_72 {offsets = [0, 0], sizes = [8, 1920], strides = [1, 1]} : vector<8x2048xf32> to vector<8x1920xf32>
    %concatenate3A_76 = tpu.concatenate %broadcast_in_dim3A_74, %slice3A_75 in 1 : vector<8x128xf32>, vector<8x1920xf32> -> vector<8x2048xf32>
    %add3A_77 = arith.addf %add3A_72, %concatenate3A_76 : vector<8x2048xf32>
    %broadcast_in_dim3A_78 = arith.constant 0.000000e+00 : f32
    %broadcast_in_dim3A_79 = vector.broadcast %broadcast_in_dim3A_78 : f32 to vector<8x256xf32>
    %slice3A_80 = vector.extract_strided_slice %add3A_77 {offsets = [0, 0], sizes = [8, 1792], strides = [1, 1]} : vector<8x2048xf32> to vector<8x1792xf32>
    %concatenate3A_81 = tpu.concatenate %broadcast_in_dim3A_79, %slice3A_80 in 1 : vector<8x256xf32>, vector<8x1792xf32> -> vector<8x2048xf32>
    %add3A_82 = arith.addf %add3A_77, %concatenate3A_81 : vector<8x2048xf32>
    %broadcast_in_dim3A_83 = arith.constant 0.000000e+00 : f32
    %broadcast_in_dim3A_84 = vector.broadcast %broadcast_in_dim3A_83 : f32 to vector<8x512xf32>
    %slice3A_85 = vector.extract_strided_slice %add3A_82 {offsets = [0, 0], sizes = [8, 1536], strides = [1, 1]} : vector<8x2048xf32> to vector<8x1536xf32>
    %concatenate3A_86 = tpu.concatenate %broadcast_in_dim3A_84, %slice3A_85 in 1 : vector<8x512xf32>, vector<8x1536xf32> -> vector<8x2048xf32>
    %add3A_87 = arith.addf %add3A_82, %concatenate3A_86 : vector<8x2048xf32>
    %broadcast_in_dim3A_88 = arith.constant 0.000000e+00 : f32
    %broadcast_in_dim3A_89 = vector.broadcast %broadcast_in_dim3A_88 : f32 to vector<8x1024xf32>
    %slice3A_90 = vector.extract_strided_slice %add3A_87 {offsets = [0, 0], sizes = [8, 1024], strides = [1, 1]} : vector<8x2048xf32> to vector<8x1024xf32>
    %concatenate3A_91 = tpu.concatenate %broadcast_in_dim3A_89, %slice3A_90 in 1 : vector<8x1024xf32>, vector<8x1024xf32> -> vector<8x2048xf32>
    %add3A_92 = arith.addf %add3A_87, %concatenate3A_91 : vector<8x2048xf32>
    %sub3A_93 = arith.subf %add3A_92, %convert_element_type3A_40 : vector<8x2048xf32>
    %slice3A_94 = vector.extract_strided_slice %add3A_92 {offsets = [0, 2047], sizes = [8, 1], strides = [1, 1]} : vector<8x2048xf32> to vector<8x1xf32>
    %broadcast_in_dim3A_95 = arith.constant 0.000000e+00 : f32
    %broadcast_in_dim3A_96 = vector.broadcast %broadcast_in_dim3A_95 : f32 to vector<1x1xf32>
    %slice3A_97 = vector.extract_strided_slice %slice3A_94 {offsets = [0, 0], sizes = [7, 1], strides = [1, 1]} : vector<8x1xf32> to vector<7x1xf32>
    %concatenate3A_98 = tpu.concatenate %broadcast_in_dim3A_96, %slice3A_97 in 0 : vector<1x1xf32>, vector<7x1xf32> -> vector<8x1xf32>
    %add3A_99 = arith.addf %slice3A_94, %concatenate3A_98 : vector<8x1xf32>
    %broadcast_in_dim3A_100 = arith.constant 0.000000e+00 : f32
    %broadcast_in_dim3A_101 = vector.broadcast %broadcast_in_dim3A_100 : f32 to vector<2x1xf32>
    %slice3A_102 = vector.extract_strided_slice %add3A_99 {offsets = [0, 0], sizes = [6, 1], strides = [1, 1]} : vector<8x1xf32> to vector<6x1xf32>
    %concatenate3A_103 = tpu.concatenate %broadcast_in_dim3A_101, %slice3A_102 in 0 : vector<2x1xf32>, vector<6x1xf32> -> vector<8x1xf32>
    %add3A_104 = arith.addf %add3A_99, %concatenate3A_103 : vector<8x1xf32>
    %broadcast_in_dim3A_105 = arith.constant 0.000000e+00 : f32
    %broadcast_in_dim3A_106 = vector.broadcast %broadcast_in_dim3A_105 : f32 to vector<4x1xf32>
    %slice3A_107 = vector.extract_strided_slice %add3A_104 {offsets = [0, 0], sizes = [4, 1], strides = [1, 1]} : vector<8x1xf32> to vector<4x1xf32>
    %concatenate3A_108 = tpu.concatenate %broadcast_in_dim3A_106, %slice3A_107 in 0 : vector<4x1xf32>, vector<4x1xf32> -> vector<8x1xf32>
    %add3A_109 = arith.addf %add3A_104, %concatenate3A_108 : vector<8x1xf32>
    %sub3A_110 = arith.subf %add3A_109, %slice3A_94 : vector<8x1xf32>
    %add3A_111 = vector.broadcast %sub3A_110 : vector<8x1xf32> to vector<8x2048xf32>
    %add3A_112 = arith.addf %add3A_111, %sub3A_93 : vector<8x2048xf32>
    %eq3A_113 = vector.broadcast %broadcast_in_dim3A_18 : vector<1x2048xi32> to vector<8x2048xi32>
    %eq3A_114 = arith.cmpi eq, %iota3A, %eq3A_113 : vector<8x2048xi32>
    %jit3A_115 = arith.constant 0.000000e+00 : f32
    %broadcast_in_dim3A_116 = vector.broadcast %jit3A_115 : f32 to vector<8x2048xf32>
    %select_n3A_117 = arith.select %eq3A_114, %add3A_112, %broadcast_in_dim3A_116 : vector<8x2048xi1>, vector<8x2048xf32>
    %reduce_sum3A_118 = arith.constant dense<0.000000e+00> : vector<2048xf32>
    %reduce_sum3A_119 = vector.multi_reduction <add>, %select_n3A_117, %reduce_sum3A_118 [0] : vector<8x2048xf32> to vector<2048xf32>
    %broadcast_in_dim3A_120 = vector.shape_cast %reduce_sum3A_119 : vector<2048xf32> to vector<1x2048xf32>
    %eq3A_121 = vector.broadcast %broadcast_in_dim3A_34 : vector<1x2048xi32> to vector<8x2048xi32>
    %eq3A_122 = arith.cmpi eq, %iota3A, %eq3A_121 : vector<8x2048xi32>
    %jit3A_123 = arith.constant 0.000000e+00 : f32
    %broadcast_in_dim3A_124 = vector.broadcast %jit3A_123 : f32 to vector<8x2048xf32>
    %select_n3A_125 = arith.select %eq3A_122, %add3A_112, %broadcast_in_dim3A_124 : vector<8x2048xi1>, vector<8x2048xf32>
    %reduce_sum3A_126 = arith.constant dense<0.000000e+00> : vector<2048xf32>
    %reduce_sum3A_127 = vector.multi_reduction <add>, %select_n3A_125, %reduce_sum3A_126 [0] : vector<8x2048xf32> to vector<2048xf32>
    %broadcast_in_dim3A_128 = vector.shape_cast %reduce_sum3A_127 : vector<2048xf32> to vector<1x2048xf32>
    %concatenate3A_129 = tpu.concatenate %broadcast_in_dim3A_120, %broadcast_in_dim3A_128, %broadcast_in_dim3A_14, %broadcast_in_dim3A_26 in 0 : vector<1x2048xf32>, vector<1x2048xf32>, vector<1x2048xf32>, vector<1x2048xf32> -> vector<4x2048xf32>
    %swap3A = arith.constant 0 : index
    %swap3A_130 = arith.constant 0 : index
    %swap3A_131 = vector.load %arg3[%swap3A, %swap3A_130] : memref<4x2048xf32, #tpu.memory_space<vmem>>, vector<4x2048xf32>
    tpu.vector_store %arg3[%swap3A, %swap3A_130], %concatenate3A_129 {strides = array<i32>} : memref<4x2048xf32, #tpu.memory_space<vmem>>, vector<4x2048xf32>,
    %swap3A_132 = arith.constant 0 : index
    %swap3A_133 = arith.constant 0 : index
    %swap3A_134 = vector.load %arg4[%swap3A_132, %swap3A_133] : memref<8x1xf32, #tpu.memory_space<vmem>>, vector<8x1xf32>
    tpu.vector_store %arg4[%swap3A_132, %swap3A_133], %slice3A_94 {strides = array<i32>} : memref<8x1xf32, #tpu.memory_space<vmem>>, vector<8x1xf32>,
    %dot_general3A_135 = arith.constant dense<0.000000e+00> : vector<2048x8xf32>
    %dot_general3A_136 = tpu.matmul %convert_element_type3A, %convert_element_type3A_5, %dot_general3A_135 {dimension_numbers = #tpu.dot_dimension_numbers<[1], [1], [0], [0], [0, 0, 1, 0], [], []>, transpose_lhs_hint = false} : vector<2048x768xbf16>, vector<8x768xbf16>, vector<2048x8xf32> -> vector<2048x8xf32>
    %reduce_max3A_137 = arith.constant dense<0xFF800000> : vector<2048xf32>
    %reduce_max3A_138 = vector.multi_reduction <maximumf>, %dot_general3A_136, %reduce_max3A_137 [1] : vector<2048x8xf32> to vector<2048xf32>
    %broadcast_in_dim3A_139 = vector.shape_cast %reduce_max3A_138 : vector<2048xf32> to vector<2048x1xf32>
    %sub3A_140 = vector.broadcast %broadcast_in_dim3A_139 : vector<2048x1xf32> to vector<2048x8xf32>
    %sub3A_141 = arith.subf %dot_general3A_136, %sub3A_140 : vector<2048x8xf32>
    %exp3A_142 = math.exp %sub3A_141 : vector<2048x8xf32>
    %reduce_sum3A_143 = arith.constant dense<0.000000e+00> : vector<2048xf32>
    %reduce_sum3A_144 = vector.multi_reduction <add>, %exp3A_142, %reduce_sum3A_143 [1] : vector<2048x8xf32> to vector<2048xf32>
    %broadcast_in_dim3A_145 = vector.shape_cast %reduce_sum3A_144 : vector<2048xf32> to vector<2048x1xf32>
    %div3A_146 = vector.broadcast %broadcast_in_dim3A_145 : vector<2048x1xf32> to vector<2048x8xf32>
    %div3A_147 = arith.divf %exp3A_142, %div3A_146 : vector<2048x8xf32>
    %iota3A_148 = tpu.iota {dimensions = array<i32: 1>} : vector<2048x8xi32>
    %reduce_max3A_149 = arith.constant dense<0xFF800000> : vector<2048xf32>
    %reduce_max3A_150 = vector.multi_reduction <maximumf>, %div3A_147, %reduce_max3A_149 [1] : vector<2048x8xf32> to vector<2048xf32>
    %broadcast_in_dim3A_151 = vector.shape_cast %reduce_max3A_150 : vector<2048xf32> to vector<2048x1xf32>
    %eq3A_152 = vector.broadcast %broadcast_in_dim3A_151 : vector<2048x1xf32> to vector<2048x8xf32>
    %eq3A_153 = arith.cmpf oeq, %div3A_147, %eq3A_152 : vector<2048x8xf32>
    %jit3A_154 = arith.constant 8 : i32
    %broadcast_in_dim3A_155 = vector.broadcast %jit3A_154 : i32 to vector<2048x8xi32>
    %select_n3A_156 = arith.select %eq3A_153, %iota3A_148, %broadcast_in_dim3A_155 : vector<2048x8xi1>, vector<2048x8xi32>
    %reduce_min3A_157 = arith.constant dense<2147483647> : vector<2048xi32>
    %reduce_min3A_158 = vector.multi_reduction <minsi>, %select_n3A_156, %reduce_min3A_157 [1] : vector<2048x8xi32> to vector<2048xi32>
    %broadcast_in_dim3A_159 = vector.shape_cast %reduce_min3A_158 : vector<2048xi32> to vector<2048x1xi32>
    %eq3A_160 = vector.broadcast %broadcast_in_dim3A_159 : vector<2048x1xi32> to vector<2048x8xi32>
    %eq3A_161 = arith.cmpi eq, %iota3A_148, %eq3A_160 : vector<2048x8xi32>
    %jit3A_162 = arith.constant -1.000000e+00 : f32
    %broadcast_in_dim3A_163 = vector.broadcast %jit3A_162 : f32 to vector<2048x8xf32>
    %select_n3A_164 = arith.select %eq3A_161, %broadcast_in_dim3A_163, %div3A_147 : vector<2048x8xi1>, vector<2048x8xf32>
    %reduce_max3A_165 = arith.constant dense<0xFF800000> : vector<2048xf32>
    %reduce_max3A_166 = vector.multi_reduction <maximumf>, %select_n3A_164, %reduce_max3A_165 [1] : vector<2048x8xf32> to vector<2048xf32>
    %broadcast_in_dim3A_167 = vector.shape_cast %reduce_max3A_166 : vector<2048xf32> to vector<2048x1xf32>
    %broadcast_in_dim3A_168 = vector.shape_cast %broadcast_in_dim3A_151 : vector<2048x1xf32> to vector<2048x1xf32>
    %broadcast_in_dim3A_169 = vector.broadcast %broadcast_in_dim3A_168 : vector<2048x1xf32> to vector<2048x128xf32>
    %swap3A_170 = arith.constant 0 : index
    %swap3A_171 = arith.constant 0 : index
    %swap3A_172 = vector.load %arg5[%swap3A_170, %swap3A_171] : memref<2048x128xf32, #tpu.memory_space<vmem>>, vector<2048x128xf32>
    tpu.vector_store %arg5[%swap3A_170, %swap3A_171], %broadcast_in_dim3A_169 {strides = array<i32>} : memref<2048x128xf32, #tpu.memory_space<vmem>>, vector<2048x128xf32>,
    %broadcast_in_dim3A_173 = vector.shape_cast %broadcast_in_dim3A_167 : vector<2048x1xf32> to vector<2048x1xf32>
    %broadcast_in_dim3A_174 = vector.broadcast %broadcast_in_dim3A_173 : vector<2048x1xf32> to vector<2048x128xf32>
    %swap3A_175 = arith.constant 0 : index
    %swap3A_176 = arith.constant 0 : index
    %swap3A_177 = vector.load %arg6[%swap3A_175, %swap3A_176] : memref<2048x128xf32, #tpu.memory_space<vmem>>, vector<2048x128xf32>
    tpu.vector_store %arg6[%swap3A_175, %swap3A_176], %broadcast_in_dim3A_174 {strides = array<i32>} : memref<2048x128xf32, #tpu.memory_space<vmem>>, vector<2048x128xf32>,
    return
  }
  func.func @transform_0(%arg0: i32) -> (i32, i32) {
    %c0_i32 = arith.constant 0 : i32
    %c0_i32_0 = arith.constant 0 : i32
    %c0_i32_1 = arith.constant 0 : i32
    return %c0_i32, %c0_i32_0 : i32, i32
  }
  func.func @transform_1(%arg0: i32) -> (i32, i32) {
    %c0_i32 = arith.constant 0 : i32
    %c0_i32_0 = arith.constant 0 : i32
    %c0_i32_1 = arith.constant 0 : i32
    return %c0_i32, %c0_i32_0 : i32, i32
  }
  func.func @transform_2(%arg0: i32) -> (i32, i32) {
    %c0_i32 = arith.constant 0 : i32
    %c0_i32_0 = arith.constant 0 : i32
    %c0_i32_1 = arith.constant 0 : i32
    return %c0_i32, %c0_i32_0 : i32, i32
  }
  func.func @transform_3(%arg0: i32) -> (i32, i32) {
    %c0_i32 = arith.constant 0 : i32
    %c0_i32_0 = arith.constant 0 : i32
    %c0_i32_1 = arith.constant 0 : i32
    return %c0_i32, %c0_i32_0 : i32, i32
  }
  func.func @transform_4(%arg0: i32) -> (i32, i32) {
    %c0_i32 = arith.constant 0 : i32
    %c0_i32_0 = arith.constant 0 : i32
    %c0_i32_1 = arith.constant 0 : i32
    return %c0_i32, %c0_i32_0 : i32, i32
  }
  func.func @transform_5(%arg0: i32) -> (i32, i32) {
    %c0_i32 = arith.constant 0 : i32
    %c0_i32_0 = arith.constant 0 : i32
    %c0_i32_1 = arith.constant 0 : i32
    return %c0_i32, %c0_i32_0 : i32, i32
  }
}

module attributes {stable_mosaic.version = 14 : i64} {
  func.func @_shared_body(%arg0: i32, %arg1: memref<2048x768xf32, #tpu.memory_space<vmem>>, %arg2: memref<1x768xf32, #tpu.memory_space<vmem>>, %arg3: memref<512x768xf32, #tpu.memory_space<vmem>>, %arg4: memref<512x768xf32, #tpu.memory_space<vmem>>, %arg5: memref<768x512xf32, #tpu.memory_space<vmem>>, %arg6: memref<2048x768xf32, #tpu.memory_space<vmem>>, %arg7: memref<2048x768xbf16, #tpu.memory_space<vmem>>, %arg8: memref<2048x8xf32, #tpu.memory_space<vmem>>) attributes {dimension_semantics = [#tpu.dimension_semantics<arbitrary>], iteration_bounds = array<i64: 4>, scalar_prefetch = 0 : i64, scratch_operands = 2 : i64, tpu.core_type = #tpu.core_type<tc>, window_params = [{pipeline_mode = #tpu.pipeline_mode<synchronous>, transform_indices = @transform_0, window_bounds = array<i64: 2048, 768>}, {pipeline_mode = #tpu.pipeline_mode<synchronous>, transform_indices = @transform_1, window_bounds = array<i64: 1, 768>}, {transform_indices = @transform_2, window_bounds = array<i64: 512, 768>}, {transform_indices = @transform_3, window_bounds = array<i64: 512, 768>}, {transform_indices = @transform_4, window_bounds = array<i64: 768, 512>}, {pipeline_mode = #tpu.pipeline_mode<synchronous>, transform_indices = @transform_5, window_bounds = array<i64: 2048, 768>}]} {
    %eq3A = arith.constant 0 : i32
    %eq3A_0 = arith.cmpi eq, %arg0, %eq3A : i32
    %convert_element_type3A = arith.extui %eq3A_0 : i1 to i32
    %cond3A = arith.constant 0 : i32
    %cond3A_1 = arith.cmpi ne, %convert_element_type3A, %cond3A : i32
    scf.if %cond3A_1 {
      %get3A_42 = arith.constant 0 : index
      %get3A_43 = arith.constant 0 : index
      %get3A_44 = vector.load %arg1[%get3A_42, %get3A_43] : memref<2048x768xf32, #tpu.memory_space<vmem>>, vector<2048x768xf32>
      %convert_element_type3A_45 = arith.truncf %get3A_44 : vector<2048x768xf32> to vector<2048x768xbf16>
      %swap3A = arith.constant 0 : index
      %swap3A_46 = arith.constant 0 : index
      %swap3A_47 = vector.load %arg7[%swap3A, %swap3A_46] : memref<2048x768xbf16, #tpu.memory_space<vmem>>, vector<2048x768xbf16>
      tpu.vector_store %arg7[%swap3A, %swap3A_46], %convert_element_type3A_45 {strides = array<i32>} : memref<2048x768xbf16, #tpu.memory_space<vmem>>, vector<2048x768xbf16>,
      %get3A_48 = arith.constant 0 : index
      %get3A_49 = arith.constant 0 : index
      %get3A_50 = vector.load %arg2[%get3A_48, %get3A_49] : memref<1x768xf32, #tpu.memory_space<vmem>>, vector<1x768xf32>
      %convert_element_type3A_51 = arith.truncf %get3A_50 : vector<1x768xf32> to vector<1x768xbf16>
      %convert_element_type3A_52 = arith.extf %convert_element_type3A_51 : vector<1x768xbf16> to vector<1x768xf32>
      %get3A_53 = arith.constant 0 : index
      %get3A_54 = arith.constant 0 : index
      %get3A_55 = vector.load %arg7[%get3A_53, %get3A_54] : memref<2048x768xbf16, #tpu.memory_space<vmem>>, vector<2048x768xbf16>
      %convert_element_type3A_56 = arith.extf %get3A_55 : vector<2048x768xbf16> to vector<2048x768xf32>
      %mul3A_57 = vector.broadcast %convert_element_type3A_52 : vector<1x768xf32> to vector<2048x768xf32>
      %mul3A_58 = arith.mulf %convert_element_type3A_56, %mul3A_57 : vector<2048x768xf32>
      %reduce_sum3A = arith.constant dense<0.000000e+00> : vector<2048xf32>
      %reduce_sum3A_59 = vector.multi_reduction <add>, %mul3A_58, %reduce_sum3A [1] : vector<2048x768xf32> to vector<2048xf32>
      %broadcast_in_dim3A = vector.shape_cast %reduce_sum3A_59 : vector<2048xf32> to vector<2048x1xf32>
      %logistic3A_60 = arith.negf %broadcast_in_dim3A : vector<2048x1xf32>
      %logistic3A_61 = math.exp %logistic3A_60 : vector<2048x1xf32>
      %logistic3A_62 = arith.constant 1.000000e+00 : f32
      %logistic3A_63 = vector.broadcast %logistic3A_62 : f32 to vector<2048x1xf32>
      %logistic3A_64 = arith.addf %logistic3A_63, %logistic3A_61 : vector<2048x1xf32>
      %logistic3A_65 = arith.divf %logistic3A_63, %logistic3A_64 : vector<2048x1xf32>
      %broadcast_in_dim3A_66 = vector.shape_cast %logistic3A_65 : vector<2048x1xf32> to vector<2048x1xf32>
      %broadcast_in_dim3A_67 = vector.broadcast %broadcast_in_dim3A_66 : vector<2048x1xf32> to vector<2048x8xf32>
      %swap3A_68 = arith.constant 0 : index
      %swap3A_69 = arith.constant 0 : index
      %swap3A_70 = vector.load %arg8[%swap3A_68, %swap3A_69] : memref<2048x8xf32, #tpu.memory_space<vmem>>, vector<2048x8xf32>
      tpu.vector_store %arg8[%swap3A_68, %swap3A_69], %broadcast_in_dim3A_67 {strides = array<i32>} : memref<2048x8xf32, #tpu.memory_space<vmem>>, vector<2048x8xf32>,
    } else {
    }
    %get3A = arith.constant 0 : index
    %get3A_2 = arith.constant 0 : index
    %get3A_3 = vector.load %arg7[%get3A, %get3A_2] : memref<2048x768xbf16, #tpu.memory_space<vmem>>, vector<2048x768xbf16>
    %get3A_4 = arith.constant 0 : index
    %get3A_5 = arith.constant 0 : index
    %get3A_6 = vector.load %arg3[%get3A_4, %get3A_5] : memref<512x768xf32, #tpu.memory_space<vmem>>, vector<512x768xf32>
    %convert_element_type3A_7 = arith.truncf %get3A_6 : vector<512x768xf32> to vector<512x768xbf16>
    %get3A_8 = arith.constant 0 : index
    %get3A_9 = arith.constant 0 : index
    %get3A_10 = vector.load %arg4[%get3A_8, %get3A_9] : memref<512x768xf32, #tpu.memory_space<vmem>>, vector<512x768xf32>
    %convert_element_type3A_11 = arith.truncf %get3A_10 : vector<512x768xf32> to vector<512x768xbf16>
    %dot_general3A = arith.constant dense<0.000000e+00> : vector<2048x512xf32>
    %dot_general3A_12 = tpu.matmul %get3A_3, %convert_element_type3A_7, %dot_general3A {dimension_numbers = #tpu.dot_dimension_numbers<[1], [1], [0], [0], [0, 0, 1, 0], [], []>, transpose_lhs_hint = false} : vector<2048x768xbf16>, vector<512x768xbf16>, vector<2048x512xf32> -> vector<2048x512xf32>
    %dot_general3A_13 = arith.constant dense<0.000000e+00> : vector<2048x512xf32>
    %dot_general3A_14 = tpu.matmul %get3A_3, %convert_element_type3A_11, %dot_general3A_13 {dimension_numbers = #tpu.dot_dimension_numbers<[1], [1], [0], [0], [0, 0, 1, 0], [], []>, transpose_lhs_hint = false} : vector<2048x768xbf16>, vector<512x768xbf16>, vector<2048x512xf32> -> vector<2048x512xf32>
    %logistic3A = arith.negf %dot_general3A_12 : vector<2048x512xf32>
    %logistic3A_15 = math.exp %logistic3A : vector<2048x512xf32>
    %logistic3A_16 = arith.constant 1.000000e+00 : f32
    %logistic3A_17 = vector.broadcast %logistic3A_16 : f32 to vector<2048x512xf32>
    %logistic3A_18 = arith.addf %logistic3A_17, %logistic3A_15 : vector<2048x512xf32>
    %logistic3A_19 = arith.divf %logistic3A_17, %logistic3A_18 : vector<2048x512xf32>
    %mul3A = arith.mulf %dot_general3A_12, %logistic3A_19 : vector<2048x512xf32>
    %mul3A_20 = arith.mulf %mul3A, %dot_general3A_14 : vector<2048x512xf32>
    %convert_element_type3A_21 = arith.truncf %mul3A_20 : vector<2048x512xf32> to vector<2048x512xbf16>
    %get3A_22 = arith.constant 0 : index
    %get3A_23 = arith.constant 0 : index
    %get3A_24 = vector.load %arg5[%get3A_22, %get3A_23] : memref<768x512xf32, #tpu.memory_space<vmem>>, vector<768x512xf32>
    %convert_element_type3A_25 = arith.truncf %get3A_24 : vector<768x512xf32> to vector<768x512xbf16>
    %dot_general3A_26 = arith.constant dense<0.000000e+00> : vector<2048x768xf32>
    %dot_general3A_27 = tpu.matmul %convert_element_type3A_21, %convert_element_type3A_25, %dot_general3A_26 {dimension_numbers = #tpu.dot_dimension_numbers<[1], [1], [0], [0], [0, 0, 1, 0], [], []>, transpose_lhs_hint = false} : vector<2048x512xbf16>, vector<768x512xbf16>, vector<2048x768xf32> -> vector<2048x768xf32>
    %get3A_28 = arith.constant 0 : index
    %get3A_29 = arith.constant 0 : index
    %get3A_30 = vector.load %arg8[%get3A_28, %get3A_29] : memref<2048x8xf32, #tpu.memory_space<vmem>>, vector<2048x1xf32>
    %mul3A_31 = vector.broadcast %get3A_30 : vector<2048x1xf32> to vector<2048x768xf32>
    %mul3A_32 = arith.mulf %dot_general3A_27, %mul3A_31 : vector<2048x768xf32>
    %eq3A_33 = arith.constant 0 : i32
    %eq3A_34 = arith.cmpi eq, %arg0, %eq3A_33 : i32
    %convert_element_type3A_35 = arith.extui %eq3A_34 : i1 to i32
    %cond3A_36 = arith.constant 0 : i32
    %cond3A_37 = arith.cmpi ne, %convert_element_type3A_35, %cond3A_36 : i32
    scf.if %cond3A_37 {
      %swap3A = arith.constant 0 : index
      %swap3A_42 = arith.constant 0 : index
      %swap3A_43 = vector.load %arg6[%swap3A, %swap3A_42] : memref<2048x768xf32, #tpu.memory_space<vmem>>, vector<2048x768xf32>
      tpu.vector_store %arg6[%swap3A, %swap3A_42], %mul3A_32 {strides = array<i32>} : memref<2048x768xf32, #tpu.memory_space<vmem>>, vector<2048x768xf32>,
    } else {
    }
    %ne3A = arith.constant 0 : i32
    %ne3A_38 = arith.cmpi ne, %arg0, %ne3A : i32
    %convert_element_type3A_39 = arith.extui %ne3A_38 : i1 to i32
    %cond3A_40 = arith.constant 0 : i32
    %cond3A_41 = arith.cmpi ne, %convert_element_type3A_39, %cond3A_40 : i32
    scf.if %cond3A_41 {
      %get3A_42 = arith.constant 0 : index
      %get3A_43 = arith.constant 0 : index
      %get3A_44 = vector.load %arg6[%get3A_42, %get3A_43] : memref<2048x768xf32, #tpu.memory_space<vmem>>, vector<2048x768xf32>
      %add3A = arith.addf %get3A_44, %mul3A_32 : vector<2048x768xf32>
      %swap3A = arith.constant 0 : index
      %swap3A_45 = arith.constant 0 : index
      %swap3A_46 = vector.load %arg6[%swap3A, %swap3A_45] : memref<2048x768xf32, #tpu.memory_space<vmem>>, vector<2048x768xf32>
      tpu.vector_store %arg6[%swap3A, %swap3A_45], %add3A {strides = array<i32>} : memref<2048x768xf32, #tpu.memory_space<vmem>>, vector<2048x768xf32>,
    } else {
    }
    return
  }
  func.func @transform_0(%arg0: i32) -> (i32, i32) {
    %c0_i32 = arith.constant 0 : i32
    %c0_i32_0 = arith.constant 0 : i32
    %c0_i32_1 = arith.constant 0 : i32
    return %c0_i32, %c0_i32_0 : i32, i32
  }
  func.func @transform_1(%arg0: i32) -> (i32, i32) {
    %c0_i32 = arith.constant 0 : i32
    %c0_i32_0 = arith.constant 0 : i32
    %c0_i32_1 = arith.constant 0 : i32
    return %c0_i32, %c0_i32_0 : i32, i32
  }
  func.func @transform_2(%arg0: i32) -> (i32, i32) {
    %c0_i32 = arith.constant 0 : i32
    %c0_i32_0 = arith.constant 0 : i32
    return %arg0, %c0_i32 : i32, i32
  }
  func.func @transform_3(%arg0: i32) -> (i32, i32) {
    %add3A = arith.constant 4 : i32
    %add3A_0 = arith.addi %arg0, %add3A : i32
    %c0_i32 = arith.constant 0 : i32
    %c0_i32_1 = arith.constant 0 : i32
    return %add3A_0, %c0_i32 : i32, i32
  }
  func.func @transform_4(%arg0: i32) -> (i32, i32) {
    %c0_i32 = arith.constant 0 : i32
    %c0_i32_0 = arith.constant 0 : i32
    return %c0_i32, %arg0 : i32, i32
  }
  func.func @transform_5(%arg0: i32) -> (i32, i32) {
    %c0_i32 = arith.constant 0 : i32
    %c0_i32_0 = arith.constant 0 : i32
    %c0_i32_1 = arith.constant 0 : i32
    return %c0_i32, %c0_i32_0 : i32, i32
  }
}

module attributes {stable_mosaic.version = 14 : i64} {
  func.func @_expert_body(%arg0: i32, %arg1: memref<23xi32, #tpu.memory_space<smem>>, %arg2: memref<23xi32, #tpu.memory_space<smem>>, %arg3: memref<23xi32, #tpu.memory_space<smem>>, %arg4: memref<23xi32, #tpu.memory_space<smem>>, %arg5: memref<256x768xf32, #tpu.memory_space<vmem>>, %arg6: memref<1x1536x768xf32, #tpu.memory_space<vmem>>, %arg7: memref<1x768x768xf32, #tpu.memory_space<vmem>>, %arg8: memref<1x8xf32, #tpu.memory_space<vmem>>, %arg9: memref<256x128xf32, #tpu.memory_space<vmem>>, %arg10: memref<256x768xf32, #tpu.memory_space<vmem>>) attributes {dimension_semantics = [#tpu.dimension_semantics<arbitrary>], iteration_bounds = array<i64: 23>, scalar_prefetch = 4 : i64, scratch_operands = 0 : i64, tpu.core_type = #tpu.core_type<tc>, window_params = [{transform_indices = @transform_0, window_bounds = array<i64: 256, 768>}, {transform_indices = @transform_1, window_bounds = array<i64: 1, 1536, 768>}, {transform_indices = @transform_2, window_bounds = array<i64: 1, 768, 768>}, {pipeline_mode = #tpu.pipeline_mode<synchronous>, transform_indices = @transform_3, window_bounds = array<i64: 1, 8>}, {transform_indices = @transform_4, window_bounds = array<i64: 256, 128>}, {transform_indices = @transform_5, window_bounds = array<i64: 256, 768>}]} {
    %get3A = arith.index_cast %arg0 : i32 to index
    %get3A_0 = memref.load %arg4[%get3A] : memref<23xi32, #tpu.memory_space<smem>>
    %eq3A = arith.constant 1 : i32
    %eq3A_1 = arith.cmpi eq, %get3A_0, %eq3A : i32
    %convert_element_type3A = arith.extui %eq3A_1 : i1 to i32
    %cond3A = arith.constant 0 : i32
    %cond3A_2 = arith.cmpi ne, %convert_element_type3A, %cond3A : i32
    scf.if %cond3A_2 {
      %get3A_3 = arith.index_cast %arg0 : i32 to index
      %get3A_4 = memref.load %arg2[%get3A_3] : memref<23xi32, #tpu.memory_space<smem>>
      %get3A_5 = arith.index_cast %arg0 : i32 to index
      %get3A_6 = memref.load %arg1[%get3A_5] : memref<23xi32, #tpu.memory_space<smem>>
      %get3A_7 = arith.constant 0 : index
      %get3A_8 = arith.constant 0 : index
      %get3A_9 = vector.load %arg5[%get3A_7, %get3A_8] : memref<256x768xf32, #tpu.memory_space<vmem>>, vector<256x768xf32>
      %convert_element_type3A_10 = arith.truncf %get3A_9 : vector<256x768xf32> to vector<256x768xbf16>
      %get3A_11 = arith.constant 0 : index
      %get3A_12 = arith.constant 0 : index
      %get3A_13 = arith.constant 0 : index
      %get3A_14 = vector.load %arg6[%get3A_11, %get3A_12, %get3A_13] : memref<1x1536x768xf32, #tpu.memory_space<vmem>>, vector<1x1536x768xf32>
      %get3A_15 = vector.shape_cast %get3A_14 : vector<1x1536x768xf32> to vector<1536x768xf32>
      %dot_general3A = arith.constant dense<0.000000e+00> : vector<256x1536xf32>
      %dot_general3A_16 = tpu.matmul %convert_element_type3A_10, %get3A_15, %dot_general3A {dimension_numbers = #tpu.dot_dimension_numbers<[1], [1], [0], [0], [0, 0, 1, 0], [], []>, transpose_lhs_hint = false} : vector<256x768xbf16>, vector<1536x768xf32>, vector<256x1536xf32> -> vector<256x1536xf32>
      %slice3A = vector.extract_strided_slice %dot_general3A_16 {offsets = [0, 0], sizes = [256, 768], strides = [1, 1]} : vector<256x1536xf32> to vector<256x768xf32>
      %logistic3A = arith.negf %slice3A : vector<256x768xf32>
      %logistic3A_17 = math.exp %logistic3A : vector<256x768xf32>
      %logistic3A_18 = arith.constant 1.000000e+00 : f32
      %logistic3A_19 = vector.broadcast %logistic3A_18 : f32 to vector<256x768xf32>
      %logistic3A_20 = arith.addf %logistic3A_19, %logistic3A_17 : vector<256x768xf32>
      %logistic3A_21 = arith.divf %logistic3A_19, %logistic3A_20 : vector<256x768xf32>
      %mul3A = arith.mulf %slice3A, %logistic3A_21 : vector<256x768xf32>
      %slice3A_22 = vector.extract_strided_slice %dot_general3A_16 {offsets = [0, 768], sizes = [256, 768], strides = [1, 1]} : vector<256x1536xf32> to vector<256x768xf32>
      %mul3A_23 = arith.mulf %mul3A, %slice3A_22 : vector<256x768xf32>
      %convert_element_type3A_24 = arith.truncf %mul3A_23 : vector<256x768xf32> to vector<256x768xbf16>
      %mul3A_25 = arith.constant 256 : i32
      %mul3A_26 = arith.muli %get3A_6, %mul3A_25 : i32
      %iota3A = tpu.iota {dimensions = array<i32: 0>} : vector<256x1xi32>
      %add3A = vector.broadcast %mul3A_26 : i32 to vector<256x1xi32>
      %add3A_27 = arith.addi %add3A, %iota3A : vector<256x1xi32>
      %convert_element_type3A_28 = arith.sitofp %add3A_27 : vector<256x1xi32> to vector<256x1xf32>
      %get3A_29 = arith.constant 0 : index
      %get3A_30 = arith.constant 0 : index
      %get3A_31 = vector.load %arg8[%get3A_29, %get3A_30] : memref<1x8xf32, #tpu.memory_space<vmem>>, vector<1x8xf32>
      %ge3A = vector.broadcast %convert_element_type3A_28 : vector<256x1xf32> to vector<256x8xf32>
      %ge3A_32 = vector.broadcast %get3A_31 : vector<1x8xf32> to vector<256x8xf32>
      %ge3A_33 = arith.cmpf oge, %ge3A, %ge3A_32 : vector<256x8xf32>
      %convert_element_type3A_34 = arith.extui %ge3A_33 : vector<256x8xi1> to vector<256x8xi32>
      %convert_element_type3A_35 = arith.sitofp %convert_element_type3A_34 : vector<256x8xi32> to vector<256x8xf32>
      %reduce_sum3A = arith.constant dense<0.000000e+00> : vector<256xf32>
      %reduce_sum3A_36 = vector.multi_reduction <add>, %convert_element_type3A_35, %reduce_sum3A [1] : vector<256x8xf32> to vector<256xf32>
      %broadcast_in_dim3A = vector.shape_cast %reduce_sum3A_36 : vector<256xf32> to vector<256x1xf32>
      %convert_element_type3A_37 = arith.sitofp %get3A_4 : i32 to f32
      %eq3A_38 = vector.broadcast %convert_element_type3A_37 : f32 to vector<256x1xf32>
      %eq3A_39 = arith.cmpf oeq, %broadcast_in_dim3A, %eq3A_38 : vector<256x1xf32>
      %jit3A = arith.constant 0.000000e+00 : bf16
      %broadcast_in_dim3A_40 = vector.shape_cast %eq3A_39 : vector<256x1xi1> to vector<256x1xi1>
      %broadcast_in_dim3A_41 = vector.broadcast %broadcast_in_dim3A_40 : vector<256x1xi1> to vector<256x768xi1>
      %broadcast_in_dim3A_42 = vector.broadcast %jit3A : bf16 to vector<256x768xbf16>
      %select_n3A = arith.select %broadcast_in_dim3A_41, %convert_element_type3A_24, %broadcast_in_dim3A_42 : vector<256x768xi1>, vector<256x768xbf16>
      %get3A_43 = arith.constant 0 : index
      %get3A_44 = arith.constant 0 : index
      %get3A_45 = arith.constant 0 : index
      %get3A_46 = vector.load %arg7[%get3A_43, %get3A_44, %get3A_45] : memref<1x768x768xf32, #tpu.memory_space<vmem>>, vector<1x768x768xf32>
      %get3A_47 = vector.shape_cast %get3A_46 : vector<1x768x768xf32> to vector<768x768xf32>
      %dot_general3A_48 = arith.constant dense<0.000000e+00> : vector<256x768xf32>
      %dot_general3A_49 = tpu.matmul %select_n3A, %get3A_47, %dot_general3A_48 {dimension_numbers = #tpu.dot_dimension_numbers<[1], [1], [0], [0], [0, 0, 1, 0], [], []>, transpose_lhs_hint = false} : vector<256x768xbf16>, vector<768x768xf32>, vector<256x768xf32> -> vector<256x768xf32>
      %get3A_50 = arith.constant 0 : index
      %get3A_51 = arith.constant 0 : index
      %get3A_52 = vector.load %arg9[%get3A_50, %get3A_51] : memref<256x128xf32, #tpu.memory_space<vmem>>, vector<256x1xf32>
      %mul3A_53 = vector.broadcast %get3A_52 : vector<256x1xf32> to vector<256x768xf32>
      %mul3A_54 = arith.mulf %dot_general3A_49, %mul3A_53 : vector<256x768xf32>
      %get3A_55 = arith.index_cast %arg0 : i32 to index
      %get3A_56 = memref.load %arg3[%get3A_55] : memref<23xi32, #tpu.memory_space<smem>>
      %eq3A_57 = arith.constant 1 : i32
      %eq3A_58 = arith.cmpi eq, %get3A_56, %eq3A_57 : i32
      %convert_element_type3A_59 = arith.extui %eq3A_58 : i1 to i32
      %cond3A_60 = arith.constant 0 : i32
      %cond3A_61 = arith.cmpi ne, %convert_element_type3A_59, %cond3A_60 : i32
      scf.if %cond3A_61 {
        %swap3A = arith.constant 0 : index
        %swap3A_69 = arith.constant 0 : index
        %swap3A_70 = vector.load %arg10[%swap3A, %swap3A_69] : memref<256x768xf32, #tpu.memory_space<vmem>>, vector<256x768xf32>
        tpu.vector_store %arg10[%swap3A, %swap3A_69], %mul3A_54 {strides = array<i32>} : memref<256x768xf32, #tpu.memory_space<vmem>>, vector<256x768xf32>,
      } else {
      }
      %get3A_62 = arith.index_cast %arg0 : i32 to index
      %get3A_63 = memref.load %arg3[%get3A_62] : memref<23xi32, #tpu.memory_space<smem>>
      %eq3A_64 = arith.constant 0 : i32
      %eq3A_65 = arith.cmpi eq, %get3A_63, %eq3A_64 : i32
      %convert_element_type3A_66 = arith.extui %eq3A_65 : i1 to i32
      %cond3A_67 = arith.constant 0 : i32
      %cond3A_68 = arith.cmpi ne, %convert_element_type3A_66, %cond3A_67 : i32
      scf.if %cond3A_68 {
        %get3A_69 = arith.constant 0 : index
        %get3A_70 = arith.constant 0 : index
        %get3A_71 = vector.load %arg10[%get3A_69, %get3A_70] : memref<256x768xf32, #tpu.memory_space<vmem>>, vector<256x768xf32>
        %add3A_72 = arith.addf %get3A_71, %mul3A_54 : vector<256x768xf32>
        %swap3A = arith.constant 0 : index
        %swap3A_73 = arith.constant 0 : index
        %swap3A_74 = vector.load %arg10[%swap3A, %swap3A_73] : memref<256x768xf32, #tpu.memory_space<vmem>>, vector<256x768xf32>
        tpu.vector_store %arg10[%swap3A, %swap3A_73], %add3A_72 {strides = array<i32>} : memref<256x768xf32, #tpu.memory_space<vmem>>, vector<256x768xf32>,
      } else {
      }
    } else {
    }
    return
  }
  func.func @transform_0(%arg0: i32, %arg1: memref<23xi32, #tpu.memory_space<smem>>, %arg2: memref<23xi32, #tpu.memory_space<smem>>, %arg3: memref<23xi32, #tpu.memory_space<smem>>, %arg4: memref<23xi32, #tpu.memory_space<smem>>) -> (i32, i32) {
    %get3A = arith.index_cast %arg0 : i32 to index
    %get3A_0 = memref.load %arg1[%get3A] : memref<23xi32, #tpu.memory_space<smem>>
    %c0_i32 = arith.constant 0 : i32
    %c0_i32_1 = arith.constant 0 : i32
    return %get3A_0, %c0_i32 : i32, i32
  }
  func.func @transform_1(%arg0: i32, %arg1: memref<23xi32, #tpu.memory_space<smem>>, %arg2: memref<23xi32, #tpu.memory_space<smem>>, %arg3: memref<23xi32, #tpu.memory_space<smem>>, %arg4: memref<23xi32, #tpu.memory_space<smem>>) -> (i32, i32, i32) {
    %get3A = arith.index_cast %arg0 : i32 to index
    %get3A_0 = memref.load %arg2[%get3A] : memref<23xi32, #tpu.memory_space<smem>>
    %c0_i32 = arith.constant 0 : i32
    %c0_i32_1 = arith.constant 0 : i32
    %c0_i32_2 = arith.constant 0 : i32
    return %get3A_0, %c0_i32, %c0_i32_1 : i32, i32, i32
  }
  func.func @transform_2(%arg0: i32, %arg1: memref<23xi32, #tpu.memory_space<smem>>, %arg2: memref<23xi32, #tpu.memory_space<smem>>, %arg3: memref<23xi32, #tpu.memory_space<smem>>, %arg4: memref<23xi32, #tpu.memory_space<smem>>) -> (i32, i32, i32) {
    %get3A = arith.index_cast %arg0 : i32 to index
    %get3A_0 = memref.load %arg2[%get3A] : memref<23xi32, #tpu.memory_space<smem>>
    %c0_i32 = arith.constant 0 : i32
    %c0_i32_1 = arith.constant 0 : i32
    %c0_i32_2 = arith.constant 0 : i32
    return %get3A_0, %c0_i32, %c0_i32_1 : i32, i32, i32
  }
  func.func @transform_3(%arg0: i32, %arg1: memref<23xi32, #tpu.memory_space<smem>>, %arg2: memref<23xi32, #tpu.memory_space<smem>>, %arg3: memref<23xi32, #tpu.memory_space<smem>>, %arg4: memref<23xi32, #tpu.memory_space<smem>>) -> (i32, i32) {
    %c0_i32 = arith.constant 0 : i32
    %c0_i32_0 = arith.constant 0 : i32
    %c0_i32_1 = arith.constant 0 : i32
    return %c0_i32, %c0_i32_0 : i32, i32
  }
  func.func @transform_4(%arg0: i32, %arg1: memref<23xi32, #tpu.memory_space<smem>>, %arg2: memref<23xi32, #tpu.memory_space<smem>>, %arg3: memref<23xi32, #tpu.memory_space<smem>>, %arg4: memref<23xi32, #tpu.memory_space<smem>>) -> (i32, i32) {
    %get3A = arith.index_cast %arg0 : i32 to index
    %get3A_0 = memref.load %arg1[%get3A] : memref<23xi32, #tpu.memory_space<smem>>
    %c0_i32 = arith.constant 0 : i32
    %c0_i32_1 = arith.constant 0 : i32
    return %get3A_0, %c0_i32 : i32, i32
  }
  func.func @transform_5(%arg0: i32, %arg1: memref<23xi32, #tpu.memory_space<smem>>, %arg2: memref<23xi32, #tpu.memory_space<smem>>, %arg3: memref<23xi32, #tpu.memory_space<smem>>, %arg4: memref<23xi32, #tpu.memory_space<smem>>) -> (i32, i32) {
    %get3A = arith.index_cast %arg0 : i32 to index
    %get3A_0 = memref.load %arg1[%get3A] : memref<23xi32, #tpu.memory_space<smem>>
    %c0_i32 = arith.constant 0 : i32
    %c0_i32_1 = arith.constant 0 : i32
    return %get3A_0, %c0_i32 : i32, i32
  }
}

module attributes {stable_mosaic.version = 14 : i64} {
  func.func @_final_body(%arg0: i32, %arg1: memref<1024x768xf32, #tpu.memory_space<vmem>>, %arg2: memref<1024x768xf32, #tpu.memory_space<vmem>>, %arg3: memref<1024x768xf32, #tpu.memory_space<vmem>>, %arg4: memref<1024x768xf32, #tpu.memory_space<vmem>>) attributes {dimension_semantics = [#tpu.dimension_semantics<arbitrary>], iteration_bounds = array<i64: 2>, scalar_prefetch = 0 : i64, scratch_operands = 0 : i64, tpu.core_type = #tpu.core_type<tc>, window_params = [{transform_indices = @transform_0, window_bounds = array<i64: 1024, 768>}, {transform_indices = @transform_1, window_bounds = array<i64: 1024, 768>}, {transform_indices = @transform_2, window_bounds = array<i64: 1024, 768>}, {transform_indices = @transform_3, window_bounds = array<i64: 1024, 768>}]} {
    %get3A = arith.constant 0 : index
    %get3A_0 = arith.constant 0 : index
    %get3A_1 = vector.load %arg1[%get3A, %get3A_0] : memref<1024x768xf32, #tpu.memory_space<vmem>>, vector<1024x768xf32>
    %get3A_2 = arith.constant 0 : index
    %get3A_3 = arith.constant 0 : index
    %get3A_4 = vector.load %arg2[%get3A_2, %get3A_3] : memref<1024x768xf32, #tpu.memory_space<vmem>>, vector<1024x768xf32>
    %add3A = arith.addf %get3A_1, %get3A_4 : vector<1024x768xf32>
    %get3A_5 = arith.constant 0 : index
    %get3A_6 = arith.constant 0 : index
    %get3A_7 = vector.load %arg3[%get3A_5, %get3A_6] : memref<1024x768xf32, #tpu.memory_space<vmem>>, vector<1024x768xf32>
    %add3A_8 = arith.addf %add3A, %get3A_7 : vector<1024x768xf32>
    %swap3A = arith.constant 0 : index
    %swap3A_9 = arith.constant 0 : index
    %swap3A_10 = vector.load %arg4[%swap3A, %swap3A_9] : memref<1024x768xf32, #tpu.memory_space<vmem>>, vector<1024x768xf32>
    tpu.vector_store %arg4[%swap3A, %swap3A_9], %add3A_8 {strides = array<i32>} : memref<1024x768xf32, #tpu.memory_space<vmem>>, vector<1024x768xf32>,
    return
  }
  func.func @transform_0(%arg0: i32) -> (i32, i32) {
    %c0_i32 = arith.constant 0 : i32
    %c0_i32_0 = arith.constant 0 : i32
    return %arg0, %c0_i32 : i32, i32
  }
  func.func @transform_1(%arg0: i32) -> (i32, i32) {
    %c0_i32 = arith.constant 0 : i32
    %c0_i32_0 = arith.constant 0 : i32
    return %arg0, %c0_i32 : i32, i32
  }
  func.func @transform_2(%arg0: i32) -> (i32, i32) {
    %c0_i32 = arith.constant 0 : i32
    %c0_i32_0 = arith.constant 0 : i32
    return %arg0, %c0_i32 : i32, i32
  }
  func.func @transform_3(%arg0: i32) -> (i32, i32) {
    %c0_i32 = arith.constant 0 : i32
    %c0_i32_0 = arith.constant 0 : i32
    return %arg0, %c0_i32 : i32, i32
  }
}

</mosaic_0001>

<sc_bundles>
// kernel: kernel.11.cloned.1.call-start
scs
__scs_entry_jumppad:
0x0: {  	(pc) =	sbr.rel $0x88, $3  }
0x1: {  	(tag) =	ssettag $0x0;
	lr =	simm.s32 $0x1  }
0x2: {  	[smem:$0x3F9A] =	sst lr;
	_ =	strace $0xD0000000  }
0x3: {  	_ = 	snop  }
0x4: {  	_ = 	snop  }
0x5: {  	_ = 	snop  }
0x6: {  	_ = 	snop  }
0x7: {  	_ = 	snop  }
__scs_overlays_trampoline_lowered:
0x8: {  	[smem:$0x3FA9] =	sst s0  }
0x9: {  	[smem:$0x3FAA] =	sst s1  }
0xa: {  	[smem:$0x3FAB] =	sst s2  }
0xb: {  	[smem:$0x3FAC] =	sst s3  }
0xc: {  	[smem:$0x3FAD] =	sst s4  }
0xd: {  	[smem:$0x3FAE] =	sst s5  }
0xe: {  	[smem:$0x3FAF] =	sst s6  }
0xf: {  	[smem:$0x3FB0] =	sst s7  }
0x10: {  	[smem:$0x3FB1] =	sst s8  }
0x11: {  	[smem:$0x3FB2] =	sst s9;
	s0 =	simm.s32 @!p0 $0x0  }
0x12: {  	s1 =	sld [smem:$0x3F98];
	s0 =	simm.s32 @p0 $0x1  }
0x13: {  	[smem:$0x3FB3] =	sst s0;
	s0 =	simm.s32 @!p1 $0x0  }
0x14: {  	s2 =	sld [smem:$0x3F97];
	s0 =	simm.s32 @p1 $0x1  }
0x15: {  	[smem:$0x3FB4] =	sst s0;
	s0 =	simm.s32 @!p2 $0x0  }
0x16: {  	s3 =	sld [smem:$0x3FDB];
	s0 =	simm.s32 @p2 $0x1  }
0x17: {  	s4 =	simm.s32 $0x1BF5;
	[smem:$0x3FB6] =	sst s0  }
0x18: {  	s0 =	sld [smem:$0x3F99];
	_ =	swait.ge [sflag:s4], $0x0  }
0x19: {  	s7 =	sld [smem:$0x3F9A]  }
0x1a: {  	s8 =	sadd.s32 $0xFFFFE003, lr  }
0x1b: {  	s9 =	sadd.s32 $0xFFFFFEF7, lr;
	s5 =	simm.s32 $0xFFFFFFFF;
	p2 =	slt.u32 s8, $0xFFFFF086  }
0x1c: {  	p1 =	slt.u32 s9, $0xF7A;
	s5 =	simm.s32 @!p2 $0x0  }
0x1d: {  	s5 =	simm.s32 @p1 $0x1;
	p0 =	seq.s32 s7, s2  }
0x1e: {  	s7 =	smul.u32 @!p0 $0xF7A, s2;
	p2 =	seq.s32 @!p0 s5, $0x0  }
0x1f: {  	s9 =	smul.u32 $0xF7A, s1;
	s8 =	simm.s32 @!p0 $0x1BF5;
	p2 =	por !p2, p0  }
0x20: {  	[sflag:s8] =	ssyncset.s32 @!p0 $0xFFFFF086;
	s6 =	sadd.s32 @!p0 s3, s7;
	s7 =	simm.s32 @!p0 $0x108  }
0x21: {  	s3 =	sadd.s32 s3, s9;
	s6 =	sadd.s32 @!p0 $0x88, s6;
	s7 =	simm.s32 @p2 $0x1082  }
0x22: {  	[simem:s7], [sflag:s8] =	dma.local @!p0 [hbm:s6], $0xF7A  }
0x23: {  	s9 =	sor.u32 $0xD0000000, s2;
	s6 =	simm.s32 $0x108;
	_ =	swait.ge @!p0 [sflag:s8], $0x0  }
0x24: {  	s3 =	sadd.s32 $0x88, s3;
	s6 =	simm.s32 @!p1 $0x1082;
	[sflag:s4] =	ssyncset.s32 $0xFFFFF086  }
0x25: {  	[simem:s6], [sflag:s4] =	dma.local [hbm:s3], $0xF7A  }
0x26: {  	[smem:$0x3F9A] =	sst s1;
	(tag) =	ssettag s2;
	_ =	strace s9  }
0x27: {  	s1 =	sld [smem:$0x3FAA]  }
0x28: {  	s2 =	sld [smem:$0x3FAB]  }
0x29: {  	s4 =	sld [smem:$0x3FAD]  }
0x2a: {  	p0 =	seq.s32 s5, $0x0;
	s5 =	sld [smem:$0x3FAE]  }
0x2b: {  	s6 =	sld [smem:$0x3FAF]  }
0x2c: {  	s7 =	sld [smem:$0x3FB0]  }
0x2d: {  	s3 =	simm.s32 $0x108;
	s8 =	sld [smem:$0x3FB1]  }
0x2e: {  	s3 =	simm.s32 @!p0 $0x1082;
	s9 =	sld [smem:$0x3FB2]  }
0x2f: {  	lr =	sadd.s32 s0, s3;
	s0 =	sld [smem:$0x3FA9]  }
0x30: {  	s3 =	sld [smem:$0x3FAC]  }
0x31: {  	[smem:$0x3FB5] =	sst s10  }
0x32: {  	s10 =	sld [smem:$0x3FB3];
	_ =	sdelay $0x3  }
0x33: {  	p0 =	seq.s32 s10, $0x1;
	s10 =	sld [smem:$0x3FB5];
	_ =	sdelay $0x3  }
0x34: {  	[smem:$0x3FB5] =	sst s10  }
0x35: {  	s10 =	sld [smem:$0x3FB4];
	_ =	sdelay $0x3  }
0x36: {  	p1 =	seq.s32 s10, $0x1;
	s10 =	sld [smem:$0x3FB5];
	_ =	sdelay $0x3  }
0x37: {  	[smem:$0x3FB5] =	sst s10  }
0x38: {  	s10 =	sld [smem:$0x3FB6]  }
0x39: {  	_ = 	snop;
	(pc) =	sbr.ind lr, $3  }
0x3a: {  	_ = 	snop  }
0x3b: {  	_ = 	snop  }
0x3c: {  	p2 =	seq.s32 s10, $0x1;
	s10 =	sld [smem:$0x3FB5]  }
0x3d: {  	_ =	shalt  }
0x3e: {  	_ =	shalt  }
0x3f: {  	_ =	shalt  }
0x40: {  	_ =	shalt  }
0x41: {  	_ =	shalt  }
0x42: {  	_ =	shalt  }
0x43: {  	_ =	shalt  }
0x44: {  	_ =	shalt  }
0x45: {  	_ =	shalt  }
0x46: {  	_ =	shalt  }
0x47: {  	_ =	shalt  }
0x48: {  	_ =	shalt  }
0x49: {  	_ =	shalt  }
0x4a: {  	_ =	shalt  }
0x4b: {  	_ =	shalt  }
0x4c: {  	_ =	shalt  }
0x4d: {  	_ =	shalt  }
0x4e: {  	_ =	shalt  }
0x4f: {  	_ =	shalt  }
0x50: {  	_ =	shalt  }
0x51: {  	_ =	shalt  }
0x52: {  	_ =	shalt  }
0x53: {  	_ =	shalt  }
0x54: {  	_ =	shalt  }
0x55: {  	_ =	shalt  }
0x56: {  	_ =	shalt  }
0x57: {  	_ =	shalt  }
0x58: {  	_ =	shalt  }
0x59: {  	_ =	shalt  }
0x5a: {  	_ =	shalt  }
0x5b: {  	_ =	shalt  }
0x5c: {  	_ =	shalt  }
0x5d: {  	_ =	shalt  }
0x5e: {  	_ =	shalt  }
0x5f: {  	_ =	shalt  }
0x60: {  	_ =	shalt  }
0x61: {  	_ =	shalt  }
0x62: {  	_ =	shalt  }
0x63: {  	_ =	shalt  }
0x64: {  	_ =	shalt  }
0x65: {  	_ =	shalt  }
0x66: {  	_ =	shalt  }
0x67: {  	_ =	shalt  }
0x68: {  	_ =	shalt  }
0x69: {  	_ =	shalt  }
0x6a: {  	_ =	shalt  }
0x6b: {  	_ =	shalt  }
0x6c: {  	_ =	shalt  }
0x6d: {  	_ =	shalt  }
0x6e: {  	_ =	shalt  }
0x6f: {  	_ =	shalt  }
0x70: {  	_ =	shalt  }
0x71: {  	_ =	shalt  }
0x72: {  	_ =	shalt  }
0x73: {  	_ =	shalt  }
0x74: {  	_ =	shalt  }
0x75: {  	_ =	shalt  }
0x76: {  	_ =	shalt  }
0x77: {  	_ =	shalt  }
0x78: {  	_ =	shalt  }
0x79: {  	_ =	shalt  }
0x7a: {  	_ =	shalt  }
0x7b: {  	_ =	shalt  }
0x7c: {  	_ =	shalt  }
0x7d: {  	_ =	shalt  }
0x7e: {  	_ =	shalt  }
0x7f: {  	_ =	shalt  }
0x80: {  	_ =	shalt  }
0x81: {  	_ =	shalt  }
0x82: {  	_ =	shalt  }
0x83: {  	_ =	shalt  }
0x84: {  	_ =	shalt  }
0x85: {  	_ =	shalt  }
0x86: {  	_ =	shalt  }
0x87: {  	_ =	shalt  }
.Lfunc_end0:
.L_simem_size_0:
called_computation.2_lowered:
.L_overlay_start_0:
0x88: {  	s2 =	sld [smem:$0x3FD9]  }
0x89: {  	s3 =	sld [smem:$0x3FFE];
	_ =	sdelay $0x1  }
0x8a: {  	s1 =	srdreg.scid  }
0x8b: {  	s0 =	sand.u32 $0x1, s1  }
0x8c: {  	s17 =	sshll.u32 s0, $0xA;
	s2 =	sadd.s32 s3, s2  }
0x8d: {  	s2 =	sadd.s32 s2, s17  }
0x8e: {  	[smem:$0x3FC1] =	sst s2  }
0x8f: {  	_ = 	snop  }
0x90: {  	s2 =	sld [smem:$0x3FD0];
	(tm) =	ssettm $0x1  }
0x91: {  	s18 =	sld [smem:$0x3FFB];
	_ =	sdelay $0x3  }
0x92: {  	_ =	strace s18  }
0x93: {  	s3 =	sld [smem:$0x3FFC];
	_ =	sdelay $0x3  }
0x94: {  	_ =	strace s3  }
0x95: {  	s3 =	sld [smem:$0x3FFD];
	_ =	sdelay $0x3  }
0x96: {  	_ =	strace s3  }
0x97: {  	_ =	strace $0x8FFFFFFF  }
0x98: {  	s19 =	sld [smem:$0x3FDB];
	_ =	sdelay $0x1  }
0x99: {  	s4 =	simm.s32 $_scs_section_size  }
0x9a: {  	s5 =	simm.s32 $_size__tile_overlayer_lowered;
	s6 =	simm.s32 $_tile_overlayer_lowered  }
0x9b: {  	s22 =	simm.s32 $0x1BFF;
	s21 =	sshll.u32 s6, $0x1;
	s3 =	sadd.s32 s4, s19  }
0x9c: {  	s7 =	simm.s32 $0x0;
	s20 =	sshll.u32 s5, $0x1;
	s5 =	sadd.s32 s21, s3  }
0x9d: {  	[timem:s7], [sflag:s22] =	dma.local [hbm:s5], s20  }
0x9e: {  	_ =	swait.ge [sflag:s22], s20  }
0x9f: {  	s4 =	ssub.s32 $0x0, s20;
	[sflag:s22] =	ssyncset.done $0x0  }
0xa0: {  	[sflag:s22] =	ssyncadd.s32 s4;
	_ =	sdelay $0x1  }
0xa1: {  	s23 =	simm.s32 $0x1B8B  }
0xa2: {  	_ =	swait.ge [sflag:s23], $0x1  }
0xa3: {  	[sflag:s23] =	ssyncset.done $0x0  }
0xa4: {  	s25 =	simm.s32 $0x1B8E;
	s24 =	sld [smem:$0x3FFE];
	[sflag:s23] =	ssyncadd.s32 $0xFFFFFFFF  }
0xa5: {  	s26 =	simm.s32 $execute0_lowered;
	[smem:$0x3FD2] =	sst s25  }
0xa6: {  	s5 =	sshll.u32 s26, $0x1;
	_ =	strace $0x8000004C;
	[dreg:$0x1] =	wrdreg $0xFFFFFFFF  }
0xa7: {  	s28 =	simm.s32 $_size_execute0_lowered;
	s3 =	sadd.s32 s3, s5;
	[dreg:$0x0] =	wrdreg $0x0  }
0xa8: {  	s5 =	sshll.u32 s28, $0x1;
	[dreg:$0x2] =	wrdreg s3  }
0xa9: {  	[dreg:$0x3] =	wrdreg s5  }
0xaa: {  	[dreg:$0x4] =	wrdreg $0xC0  }
0xab: {  	_ =	task [dreg:s7], $0x5FFFF  }
0xac: {  	[dreg:$0x1] =	wrdreg $0xFFFFFFFF  }
0xad: {  	[dreg:$0x0] =	wrdreg $0x60  }
0xae: {  	[dreg:$0x2] =	wrdreg s24  }
0xaf: {  	[dreg:$0x3] =	wrdreg s2  }
0xb0: {  	[dreg:$0x4] =	wrdreg $0x9  }
0xb1: {  	_ =	task.clear_ibuf [dreg:s7], $0x5FFFF;
	_ =	strace $0x9000004C  }
0xb2: {  	s29 =	simm.s32 $0x9;
	_ =	strace $0x8000004E  }
0xb3: {  	_ =	swait.ge [sflag:s29], $0x1  }
0xb4: {  	[sflag:s29] =	ssyncadd.s32 $0xFFFFFFFF  }
0xb5: {  	_ =	strace $0x9000004E  }
0xb6: {  	_ =	sfence  }
0xb7: {  	s30 =	sld [smem:$0x0];
	_ =	sdelay $0x2  }
0xb8: {  	s31 =	sshll.u32 s1, $0xD;
	s1 =	sshrl.u32 s1, $0x2  }
0xb9: {  	s3 =	sand.u32 $0x4000, s31;
	s1 =	sadd.s32 s1, s30  }
0xba: {  	s0 =	sor.u32 s3, s0;
	s1 =	sshll.u32 s1, $0x11  }
0xbb: {  	s0 =	sor.u32 s1, s0  }
0xbc: {  	s0 =	sadd.s32 $0x8F2B, s0  }
0xbd: {  	[sflag:s0] =	ssyncadd.remote.s32 $0x1  }
0xbe: {  	_ =	sfence.sel $0xFFFF  }
0xbf: {  	[dreg:$0x0] =	wrdreg $0xFFFFFFFF;
	(pc) =	sbr.abs _section_cstart, $3  }
0xc0: {  	[dreg:$0x1] =	wrdreg $0xFFFFFFFF  }
0xc1: {  	_ =	task.clear_ibuf [dreg:s7], $0x2FFFF;
	_ =	strace $0x9FFFFFFF  }
0xc2: {  	(tm) =	ssettm $0x7FFFFFFF  }
0xc3: {  	_ =	shalt  }
tec
execute0_lowered:
.L_overlay_start_1:
0x0: {  	(tag) =	ssettag $0x1  }
0x1: {  	s0 =	srdreg.scid  }
0x2: {  	s1 =	rddreg [dreg:$0x0];
	s5 =	stileid.u32  }
0x3: {  	s4 =	rddreg [dreg:$0x1];
	s9 =	simm.s32 $0xC000;
	s10 =	simm.s32 $0x800  }
0x4: {  	s11 =	simm.s32 $0x1000;
	s12 =	simm.s32 $0x1800;
	s13 =	simm.s32 $0x2000  }
0x5: {  	s14 =	simm.s32 $0x2800;
	s15 =	simm.s32 $0x3000;
	s16 =	simm.s32 $0x3800  }
0x6: {  	s17 =	simm.s32 $0x4000;
	s18 =	simm.s32 $0x4800;
	s19 =	simm.s32 $0x5000  }
0x7: {  	s20 =	simm.s32 $0x5800;
	s21 =	simm.s32 $0x6000;
	s28 =	simm.s32 $0x9000  }
0x8: {  	s29 =	simm.s32 $0x9800;
	s30 =	simm.s32 $0xA000;
	s0 =	sand.u32 $0x1, s0  }
0x9: {  	s31 =	simm.s32 $0xA800;
	s2 =	sshll.u32 s5, $0x7;
	s3 =	sshll.u32 s0, $0x6  }
0xa: {  	s5 =	sshll.u32 s5, $0x9;
	s0 =	ssub.s32 $0x2, s0;
	s6 =	sor.u32 s3, s2  }
0xb: {  	s2 =	simm.s32 $0x0;
	s3 =	sor.u32 s3, s5;
	s24 =	sshrl.u32 s0, $0x1  }
0xc: {  	s22 =	sshrl.u32 s6, $0x3;
	[smem:$0x7FF] =	sst s2;
	s3 =	sshrl.u32 s3, $0x3  }
0xd: {  	s0 =	ssub.s32 s0, s24;
	s24 =	simm.s32 $0x7800;
	s5 =	smul.u32 $0x300, s22  }
0xe: {  	_ =	strace $0x8000004D;
	s23 =	sadd.s32 s3, s1;
	s3 =	sadd.s32 $0x10400, s1  }
0xf: {  	s6 =	smax.u32 s0, $0x1;
	s0 =	simm.s32 $0x1;
	s22 =	simm.s32 $0x6800  }
0x10: {  	s8 =	sadd.s32 $0x10000, s23;
	s25 =	sadd.s32 $0x10010, s23;
	s23 =	simm.s32 $0x7000  }
0x11: {  	s7 =	sadd.s32 s5, s1;
	[dreg:$0x3] =	wrdreg s8;
	s4 =	sadd.s32 s4, s5  }
0x12: {  	v2 =	vlaneseq.u32;
	[dreg:$0x5] =	wrdreg s25;
	s5 =	sadd.s32 $0x10600, s1;
	s8 =	simm.s32 $0x2  }
0x13: {  	vm0 =	vmmov $0xffff;
	v1 =	vshrl.u32 v2, $0x3;
	s25 =	simm.s32 $0x8000;
	[dreg:$0x4] =	wrdreg s4;
	s26 =	sadd.s32 $0x70400, s7  }
0x14: {  	v0 =	vand.u32 $0x7, v2;
	v2 =	vor.u32 $0x8, v2;
	v1 =	vmul.u32 $0x8, v1;
	s4 =	sadd.s32 $0x10500, s1;
	[dreg:$0x6] =	wrdreg s26;
	s26 =	simm.s32 $0x8800  }
.LBB2_1:
0x15: {  	s7 =	rddreg [dreg:$0x3]  }
0x16: {  	[tilespmem:s9], [sflag:$0x2] =	stream.linear.gather [hbm4b:s7+s2], $0x40, $0x38;
	[tilespmem:$0xC100] =	vst v63  }
0x17: {  	_ =	swait.ge [sflag:s8], $0x40  }
0x18: {  	[sflag:s8] =	ssyncset.done $0x0  }
0x19: {  	[sflag:s8] =	ssyncadd.s32 $0xFFFFFFC0  }
0x1a: {  	v3 =	vld [tilespmem:$0xC000];
	_ =	sdelay $0x4  }
0x1b: {  	v3 =	vtrunc.f32 v3  }
0x1c: {  	v3 =	vcvt.f32.s32 v3;
	_ =	sdelay $0x1  }
0x1d: {  	v4 =	vld [tilespmem:$0xC010];
	v5 =	vshrl.u32 v3, $0x3  }
0x1e: {  	v7 =	vld [tilespmem:$0xC030];
	v5 =	vmul.u32 $0x30, v5  }
0x1f: {  	v6 =	vld [tilespmem:$0xC020];
	v8 =	vand.u32 $0x7, v3  }
0x20: {  	v5 =	vor.u32 v8, v5  }
0x21: {  	v8 =	vperm.xlane v5, v0  }
0x22: {  	v4 =	vtrunc.f32 v4  }
0x23: {  	v49 =	vtrunc.f32 v7;
	v4 =	vcvt.f32.s32 v4;
	v8 =	vadd.s32 v1, v8  }
0x24: {  	v6 =	vtrunc.f32 v6;
	v50 =	vcvt.f32.s32 v49;
	[tilespmem:$0xC080] =	vst v3  }
0x25: {  	v3 =	vcvt.f32.s32 v6;
	[tilespmem:$0xC090] =	vst v4  }
0x26: {  	[tilespmem:$0xC0B0] =	vst v50  }
0x27: {  	[tilespmem:$0xC0A0] =	vst v3;
	v3 =	vperm.xlane v5, v2  }
0x28: {  	[tilespmem:s2], [sflag:$0x1] =	stream.indirect_vreg.gather [hbm4b:s3+s2], $0x80, v8, vm0, $0xb8;
	[tilespmem:$0xC100] =	vst v63  }
0x29: {  	v3 =	vadd.s32 v1, v3  }
0x2a: {  	[tilespmem:s10], [sflag:$0x1] =	stream.indirect_vreg.gather [hbm4b:s4+s2], $0x80, v8, vm0, $0xb8;
	[tilespmem:$0xC100] =	vst v63  }
0x2b: {  	_ = 	snop  }
0x2c: {  	[tilespmem:s11], [sflag:$0x1] =	stream.indirect_vreg.gather [hbm4b:s5+s2], $0x80, v8, vm0, $0xb8;
	[tilespmem:$0xC100] =	vst v63  }
0x2d: {  	_ = 	snop  }
0x2e: {  	[tilespmem:s12], [sflag:$0x1] =	stream.indirect_vreg.gather [hbm4b:s3+s2], $0x80, v3, vm0, $0xb8;
	[tilespmem:$0xC100] =	vst v63  }
0x2f: {  	_ = 	snop  }
0x30: {  	[tilespmem:s13], [sflag:$0x1] =	stream.indirect_vreg.gather [hbm4b:s4+s2], $0x80, v3, vm0, $0xb8;
	[tilespmem:$0xC100] =	vst v63  }
0x31: {  	_ = 	snop  }
0x32: {  	[tilespmem:s14], [sflag:$0x1] =	stream.indirect_vreg.gather [hbm4b:s5+s2], $0x80, v3, vm0, $0xb8;
	[tilespmem:$0xC100] =	vst v63  }
0x33: {  	v3 =	vld [tilespmem:$0xC090];
	_ =	sdelay $0x4  }
0x34: {  	v51 =	vshrl.u32 v3, $0x3  }
0x35: {  	v4 =	vmul.u32 $0x30, v51  }
0x36: {  	v3 =	vand.u32 $0x7, v3  }
0x37: {  	v3 =	vor.u32 v3, v4  }
0x38: {  	v4 =	vperm.xlane v3, v0;
	_ =	sdelay $0x1  }
0x39: {  	v4 =	vadd.s32 v1, v4;
	_ =	sdelay $0x3  }
0x3a: {  	v3 =	vperm.xlane v3, v2  }
0x3b: {  	[tilespmem:s15], [sflag:$0x1] =	stream.indirect_vreg.gather [hbm4b:s3+s2], $0x80, v4, vm0, $0xb8;
	[tilespmem:$0xC100] =	vst v63  }
0x3c: {  	v3 =	vadd.s32 v1, v3  }
0x3d: {  	[tilespmem:s16], [sflag:$0x1] =	stream.indirect_vreg.gather [hbm4b:s4+s2], $0x80, v4, vm0, $0xb8;
	[tilespmem:$0xC100] =	vst v63  }
0x3e: {  	_ = 	snop  }
0x3f: {  	[tilespmem:s17], [sflag:$0x1] =	stream.indirect_vreg.gather [hbm4b:s5+s2], $0x80, v4, vm0, $0xb8;
	[tilespmem:$0xC100] =	vst v63  }
0x40: {  	_ = 	snop  }
0x41: {  	[tilespmem:s18], [sflag:$0x1] =	stream.indirect_vreg.gather [hbm4b:s3+s2], $0x80, v3, vm0, $0xb8;
	[tilespmem:$0xC100] =	vst v63  }
0x42: {  	_ = 	snop  }
0x43: {  	[tilespmem:s19], [sflag:$0x1] =	stream.indirect_vreg.gather [hbm4b:s4+s2], $0x80, v3, vm0, $0xb8;
	[tilespmem:$0xC100] =	vst v63  }
0x44: {  	_ = 	snop  }
0x45: {  	[tilespmem:s20], [sflag:$0x1] =	stream.indirect_vreg.gather [hbm4b:s5+s2], $0x80, v3, vm0, $0xb8;
	[tilespmem:$0xC100] =	vst v63  }
0x46: {  	v3 =	vld [tilespmem:$0xC0A0];
	_ =	sdelay $0x4  }
0x47: {  	v52 =	vshrl.u32 v3, $0x3  }
0x48: {  	v4 =	vmul.u32 $0x30, v52  }
0x49: {  	v3 =	vand.u32 $0x7, v3  }
0x4a: {  	v3 =	vor.u32 v3, v4  }
0x4b: {  	v4 =	vperm.xlane v3, v0;
	_ =	sdelay $0x1  }
0x4c: {  	v4 =	vadd.s32 v1, v4;
	_ =	sdelay $0x3  }
0x4d: {  	v3 =	vperm.xlane v3, v2  }
0x4e: {  	[tilespmem:s21], [sflag:$0x1] =	stream.indirect_vreg.gather [hbm4b:s3+s2], $0x80, v4, vm0, $0xb8;
	[tilespmem:$0xC100] =	vst v63  }
0x4f: {  	v3 =	vadd.s32 v1, v3  }
0x50: {  	[tilespmem:s22], [sflag:$0x1] =	stream.indirect_vreg.gather [hbm4b:s4+s2], $0x80, v4, vm0, $0xb8;
	[tilespmem:$0xC100] =	vst v63  }
0x51: {  	_ = 	snop  }
0x52: {  	[tilespmem:s23], [sflag:$0x1] =	stream.indirect_vreg.gather [hbm4b:s5+s2], $0x80, v4, vm0, $0xb8;
	[tilespmem:$0xC100] =	vst v63  }
0x53: {  	_ = 	snop  }
0x54: {  	[tilespmem:s24], [sflag:$0x1] =	stream.indirect_vreg.gather [hbm4b:s3+s2], $0x80, v3, vm0, $0xb8;
	[tilespmem:$0xC100] =	vst v63  }
0x55: {  	_ = 	snop  }
0x56: {  	[tilespmem:s25], [sflag:$0x1] =	stream.indirect_vreg.gather [hbm4b:s4+s2], $0x80, v3, vm0, $0xb8;
	[tilespmem:$0xC100] =	vst v63  }
0x57: {  	_ = 	snop  }
0x58: {  	[tilespmem:s26], [sflag:$0x1] =	stream.indirect_vreg.gather [hbm4b:s5+s2], $0x80, v3, vm0, $0xb8;
	[tilespmem:$0xC100] =	vst v63  }
0x59: {  	v3 =	vld [tilespmem:$0xC0B0];
	_ =	sdelay $0x4  }
0x5a: {  	v53 =	vshrl.u32 v3, $0x3  }
0x5b: {  	v4 =	vmul.u32 $0x30, v53  }
0x5c: {  	v3 =	vand.u32 $0x7, v3  }
0x5d: {  	v3 =	vor.u32 v3, v4  }
0x5e: {  	v4 =	vperm.xlane v3, v0;
	_ =	sdelay $0x1  }
0x5f: {  	v4 =	vadd.s32 v1, v4;
	_ =	sdelay $0x3  }
0x60: {  	v3 =	vperm.xlane v3, v2  }
0x61: {  	[tilespmem:s28], [sflag:$0x1] =	stream.indirect_vreg.gather [hbm4b:s3+s2], $0x80, v4, vm0, $0xb8;
	[tilespmem:$0xC100] =	vst v63  }
0x62: {  	v3 =	vadd.s32 v1, v3  }
0x63: {  	[tilespmem:s29], [sflag:$0x1] =	stream.indirect_vreg.gather [hbm4b:s4+s2], $0x80, v4, vm0, $0xb8;
	[tilespmem:$0xC100] =	vst v63  }
0x64: {  	_ = 	snop  }
0x65: {  	[tilespmem:s30], [sflag:$0x1] =	stream.indirect_vreg.gather [hbm4b:s5+s2], $0x80, v4, vm0, $0xb8;
	[tilespmem:$0xC100] =	vst v63  }
0x66: {  	_ = 	snop  }
0x67: {  	[tilespmem:s31], [sflag:$0x1] =	stream.indirect_vreg.gather [hbm4b:s3+s2], $0x80, v3, vm0, $0xb8;
	[tilespmem:$0xC100] =	vst v63  }
0x68: {  	s1 =	simm.s32 $0xB000  }
0x69: {  	[tilespmem:s1], [sflag:$0x1] =	stream.indirect_vreg.gather [hbm4b:s4+s2], $0x80, v3, vm0, $0xb8;
	[tilespmem:$0xC100] =	vst v63  }
0x6a: {  	s7 =	simm.s32 $0xB800  }
0x6b: {  	[tilespmem:s7], [sflag:$0x1] =	stream.indirect_vreg.gather [hbm4b:s5+s2], $0x80, v3, vm0, $0xb8;
	[tilespmem:$0xC100] =	vst v63  }
0x6c: {  	_ =	swait.ge [sflag:s0], $0xC000  }
0x6d: {  	[sflag:s0] =	ssyncset.done $0x0  }
0x6e: {  	s7 =	rddreg [dreg:$0x4];
	[sflag:s0] =	ssyncadd.s32 $0xFFFF4000  }
0x6f: {  	[hbm4b:s7+s2] =	stream.linear.scatter [tilespmem:s2], [sflag:$0x2], $0xC000, $0x38;
	[tilespmem:$0xC100] =	vst v63  }
0x70: {  	_ =	swait.ge [sflag:s8], $0xC000  }
0x71: {  	[sflag:s8] =	ssyncset.done $0x0  }
0x72: {  	s7 =	rddreg [dreg:$0x5];
	[sflag:s8] =	ssyncadd.s32 $0xFFFF4000  }
0x73: {  	[tilespmem:s9], [sflag:$0x2] =	stream.linear.gather [hbm4b:s7+s2], $0x40, $0x38;
	[tilespmem:$0xC100] =	vst v63  }
0x74: {  	_ =	swait.ge [sflag:s8], $0x40  }
0x75: {  	[sflag:s8] =	ssyncset.done $0x0  }
0x76: {  	[sflag:s8] =	ssyncadd.s32 $0xFFFFFFC0  }
0x77: {  	v3 =	vld [tilespmem:$0xC000];
	_ =	sdelay $0x4  }
0x78: {  	v3 =	vtrunc.f32 v3  }
0x79: {  	v3 =	vcvt.f32.s32 v3;
	_ =	sdelay $0x1  }
0x7a: {  	v54 =	vld [tilespmem:$0xC010];
	v55 =	vshrl.u32 v3, $0x3  }
0x7b: {  	v57 =	vld [tilespmem:$0xC030];
	v5 =	vmul.u32 $0x30, v55  }
0x7c: {  	v56 =	vld [tilespmem:$0xC020];
	v58 =	vand.u32 $0x7, v3  }
0x7d: {  	v5 =	vor.u32 v58, v5  }
0x7e: {  	v8 =	vperm.xlane v5, v0  }
0x7f: {  	v4 =	vtrunc.f32 v54  }
0x80: {  	v59 =	vtrunc.f32 v57;
	v4 =	vcvt.f32.s32 v4;
	v8 =	vadd.s32 v1, v8  }
0x81: {  	v6 =	vtrunc.f32 v56;
	v60 =	vcvt.f32.s32 v59;
	[tilespmem:$0xC080] =	vst v3  }
0x82: {  	v3 =	vcvt.f32.s32 v6;
	[tilespmem:$0xC090] =	vst v4  }
0x83: {  	[tilespmem:$0xC0B0] =	vst v60  }
0x84: {  	[tilespmem:$0xC0A0] =	vst v3;
	v3 =	vperm.xlane v5, v2  }
0x85: {  	[tilespmem:s2], [sflag:$0x1] =	stream.indirect_vreg.gather [hbm4b:s3+s2], $0x80, v8, vm0, $0xb8;
	[tilespmem:$0xC100] =	vst v63  }
0x86: {  	v3 =	vadd.s32 v1, v3  }
0x87: {  	[tilespmem:s10], [sflag:$0x1] =	stream.indirect_vreg.gather [hbm4b:s4+s2], $0x80, v8, vm0, $0xb8;
	[tilespmem:$0xC100] =	vst v63  }
0x88: {  	_ = 	snop  }
0x89: {  	[tilespmem:s11], [sflag:$0x1] =	stream.indirect_vreg.gather [hbm4b:s5+s2], $0x80, v8, vm0, $0xb8;
	[tilespmem:$0xC100] =	vst v63  }
0x8a: {  	_ = 	snop  }
0x8b: {  	[tilespmem:s12], [sflag:$0x1] =	stream.indirect_vreg.gather [hbm4b:s3+s2], $0x80, v3, vm0, $0xb8;
	[tilespmem:$0xC100] =	vst v63  }
0x8c: {  	_ = 	snop  }
0x8d: {  	[tilespmem:s13], [sflag:$0x1] =	stream.indirect_vreg.gather [hbm4b:s4+s2], $0x80, v3, vm0, $0xb8;
	[tilespmem:$0xC100] =	vst v63  }
0x8e: {  	_ = 	snop  }
0x8f: {  	[tilespmem:s14], [sflag:$0x1] =	stream.indirect_vreg.gather [hbm4b:s5+s2], $0x80, v3, vm0, $0xb8;
	[tilespmem:$0xC100] =	vst v63  }
0x90: {  	v3 =	vld [tilespmem:$0xC090];
	_ =	sdelay $0x4  }
0x91: {  	v61 =	vshrl.u32 v3, $0x3  }
0x92: {  	v4 =	vmul.u32 $0x30, v61  }
0x93: {  	v3 =	vand.u32 $0x7, v3  }
0x94: {  	v3 =	vor.u32 v3, v4  }
0x95: {  	v4 =	vperm.xlane v3, v0;
	_ =	sdelay $0x1  }
0x96: {  	v4 =	vadd.s32 v1, v4;
	_ =	sdelay $0x3  }
0x97: {  	v3 =	vperm.xlane v3, v2  }
0x98: {  	[tilespmem:s15], [sflag:$0x1] =	stream.indirect_vreg.gather [hbm4b:s3+s2], $0x80, v4, vm0, $0xb8;
	[tilespmem:$0xC100] =	vst v63  }
0x99: {  	v3 =	vadd.s32 v1, v3  }
0x9a: {  	[tilespmem:s16], [sflag:$0x1] =	stream.indirect_vreg.gather [hbm4b:s4+s2], $0x80, v4, vm0, $0xb8;
	[tilespmem:$0xC100] =	vst v63  }
0x9b: {  	_ = 	snop  }
0x9c: {  	[tilespmem:s17], [sflag:$0x1] =	stream.indirect_vreg.gather [hbm4b:s5+s2], $0x80, v4, vm0, $0xb8;
	[tilespmem:$0xC100] =	vst v63  }
0x9d: {  	_ = 	snop  }
0x9e: {  	[tilespmem:s18], [sflag:$0x1] =	stream.indirect_vreg.gather [hbm4b:s3+s2], $0x80, v3, vm0, $0xb8;
	[tilespmem:$0xC100] =	vst v63  }
0x9f: {  	_ = 	snop  }
0xa0: {  	[tilespmem:s19], [sflag:$0x1] =	stream.indirect_vreg.gather [hbm4b:s4+s2], $0x80, v3, vm0, $0xb8;
	[tilespmem:$0xC100] =	vst v63  }
0xa1: {  	_ = 	snop  }
0xa2: {  	[tilespmem:s20], [sflag:$0x1] =	stream.indirect_vreg.gather [hbm4b:s5+s2], $0x80, v3, vm0, $0xb8;
	[tilespmem:$0xC100] =	vst v63  }
0xa3: {  	v3 =	vld [tilespmem:$0xC0A0];
	_ =	sdelay $0x4  }
0xa4: {  	v62 =	vshrl.u32 v3, $0x3  }
0xa5: {  	v4 =	vmul.u32 $0x30, v62  }
0xa6: {  	v3 =	vand.u32 $0x7, v3  }
0xa7: {  	v3 =	vor.u32 v3, v4  }
0xa8: {  	v4 =	vperm.xlane v3, v0;
	_ =	sdelay $0x1  }
0xa9: {  	v4 =	vadd.s32 v1, v4;
	_ =	sdelay $0x3  }
0xaa: {  	v3 =	vperm.xlane v3, v2  }
0xab: {  	[tilespmem:s21], [sflag:$0x1] =	stream.indirect_vreg.gather [hbm4b:s3+s2], $0x80, v4, vm0, $0xb8;
	[tilespmem:$0xC100] =	vst v63  }
0xac: {  	v3 =	vadd.s32 v1, v3  }
0xad: {  	[tilespmem:s22], [sflag:$0x1] =	stream.indirect_vreg.gather [hbm4b:s4+s2], $0x80, v4, vm0, $0xb8;
	[tilespmem:$0xC100] =	vst v63  }
0xae: {  	_ = 	snop  }
0xaf: {  	[tilespmem:s23], [sflag:$0x1] =	stream.indirect_vreg.gather [hbm4b:s5+s2], $0x80, v4, vm0, $0xb8;
	[tilespmem:$0xC100] =	vst v63  }
0xb0: {  	_ = 	snop  }
0xb1: {  	[tilespmem:s24], [sflag:$0x1] =	stream.indirect_vreg.gather [hbm4b:s3+s2], $0x80, v3, vm0, $0xb8;
	[tilespmem:$0xC100] =	vst v63  }
0xb2: {  	_ = 	snop  }
0xb3: {  	[tilespmem:s25], [sflag:$0x1] =	stream.indirect_vreg.gather [hbm4b:s4+s2], $0x80, v3, vm0, $0xb8;
	[tilespmem:$0xC100] =	vst v63  }
0xb4: {  	_ = 	snop  }
0xb5: {  	[tilespmem:s26], [sflag:$0x1] =	stream.indirect_vreg.gather [hbm4b:s5+s2], $0x80, v3, vm0, $0xb8;
	[tilespmem:$0xC100] =	vst v63  }
0xb6: {  	v3 =	vld [tilespmem:$0xC0B0];
	_ =	sdelay $0x4  }
0xb7: {  	v63 =	vshrl.u32 v3, $0x3  }
0xb8: {  	v4 =	vmul.u32 $0x30, v63  }
0xb9: {  	v3 =	vand.u32 $0x7, v3  }
0xba: {  	v3 =	vor.u32 v3, v4  }
0xbb: {  	v4 =	vperm.xlane v3, v0;
	_ =	sdelay $0x1  }
0xbc: {  	v4 =	vadd.s32 v1, v4;
	_ =	sdelay $0x3  }
0xbd: {  	v3 =	vperm.xlane v3, v2  }
0xbe: {  	[tilespmem:s28], [sflag:$0x1] =	stream.indirect_vreg.gather [hbm4b:s3+s2], $0x80, v4, vm0, $0xb8;
	[tilespmem:$0xC100] =	vst v63  }
0xbf: {  	v3 =	vadd.s32 v1, v3  }
0xc0: {  	[tilespmem:s29], [sflag:$0x1] =	stream.indirect_vreg.gather [hbm4b:s4+s2], $0x80, v4, vm0, $0xb8;
	[tilespmem:$0xC100] =	vst v63  }
0xc1: {  	_ = 	snop  }
0xc2: {  	[tilespmem:s30], [sflag:$0x1] =	stream.indirect_vreg.gather [hbm4b:s5+s2], $0x80, v4, vm0, $0xb8;
	[tilespmem:$0xC100] =	vst v63  }
0xc3: {  	_ = 	snop  }
0xc4: {  	[tilespmem:s31], [sflag:$0x1] =	stream.indirect_vreg.gather [hbm4b:s3+s2], $0x80, v3, vm0, $0xb8;
	[tilespmem:$0xC100] =	vst v63  }
0xc5: {  	_ = 	snop  }
0xc6: {  	[tilespmem:s1], [sflag:$0x1] =	stream.indirect_vreg.gather [hbm4b:s4+s2], $0x80, v3, vm0, $0xb8;
	[tilespmem:$0xC100] =	vst v63  }
0xc7: {  	s7 =	simm.s32 $0xB800  }
0xc8: {  	[tilespmem:s7], [sflag:$0x1] =	stream.indirect_vreg.gather [hbm4b:s5+s2], $0x80, v3, vm0, $0xb8;
	[tilespmem:$0xC100] =	vst v63  }
0xc9: {  	_ =	swait.ge [sflag:s0], $0xC000  }
0xca: {  	p0 =	sne.s32 s6, $0x1;
	[sflag:s0] =	ssyncset.done $0x0  }
.Ltmp0:
0xcb: {  	s1 =	rddreg [dreg:$0x6];
	[sflag:s0] =	ssyncadd.s32 $0xFFFF4000;
	(pc) =	sbr.rel @p0 .LBB2_1-.Ltmp0, $4  }
0xcc: {  	[hbm4b:s1+s2] =	stream.linear.scatter [tilespmem:s2], [sflag:$0x2], $0xC000, $0x38;
	[tilespmem:$0xC100] =	vst v63  }
0xcd: {  	_ =	swait.ge [sflag:s8], $0xC000  }
0xce: {  	[sflag:s8] =	ssyncset.done $0x0  }
0xcf: {  	s6 =	sadd.s32 $0xFFFFFFFF, s6;
	[sflag:s8] =	ssyncadd.s32 $0xFFFF4000  }
0xd0: {  	_ =	sfence.sel $0x180000  }
0xd1: {  	[bflag:$0x0] =	sbarrier.arrive $0xFFFF  }
0xd2: {  	_ =	strace $0x9000004D  }
0xd3: {  	s0 =	stileid.u32;
	[bflag:$0x2] =	sbarrier.arrive $0xFFFF  }
0xd4: {  	p0 =	sne.s32 s0, $0x0;
	s0 =	rddreg [dreg:$0x2]  }
0xd5: {  	s0 =	sadd.s32 @!p0 $0x100000, s0  }
0xd6: {  	[sflag:s0] =	ssyncadd.tile.s32 @!p0 $0x1;
	_ =	shalt  }
.Lfunc_end2:
_tile_overlayer_lowered:
.L_overlay_start_2:
0xd7: {  	(tag) =	ssettag $0x2  }
0xd8: {  	s0 =	rddreg [dreg:$0x0];
	s2 =	stileid.u32  }
0xd9: {  	s1 =	rddreg [dreg:$0x1];
	p0 =	sne.s32 s2, $0x0  }
0xda: {  	s3 =	rddreg [dreg:$0x2];
	[bflag:$0x3] =	sbarrier.arrive $0xFFFF;
	s2 =	simm.s32 @!p0 $0x1C02  }
0xdb: {  	[timem:s3], [sflag:s2] =	dma.local @!p0 [hbm:s0], s1  }
0xdc: {  	s0 =	simm.s32 @!p0 $0x2  }
0xdd: {  	_ =	swait.ge @!p0 [sflag:s0], s1  }
0xde: {  	s1 =	ssub.s32 @!p0 $0x0, s1;
	[sflag:s0] =	ssyncset.done @!p0 $0x0  }
0xdf: {  	[sflag:s0] =	ssyncadd.s32 @!p0 s1  }
0xe0: {  	[bflag:$0x3] =	sbarrier.arrive $0xFFFF  }
0xe1: {  	_ =	shalt  }

// kernel: kernel.8.cloned.1.call-start
scs
__scs_entry_jumppad:
0x0: {  	(pc) =	sbr.rel $0x88, $3  }
0x1: {  	(tag) =	ssettag $0x0;
	lr =	simm.s32 $0x1  }
0x2: {  	[smem:$0x3F9A] =	sst lr;
	_ =	strace $0xD0000000  }
0x3: {  	_ = 	snop  }
0x4: {  	_ = 	snop  }
0x5: {  	_ = 	snop  }
0x6: {  	_ = 	snop  }
0x7: {  	_ = 	snop  }
__scs_overlays_trampoline_lowered:
0x8: {  	[smem:$0x3FA9] =	sst s0  }
0x9: {  	[smem:$0x3FAA] =	sst s1  }
0xa: {  	[smem:$0x3FAB] =	sst s2  }
0xb: {  	[smem:$0x3FAC] =	sst s3  }
0xc: {  	[smem:$0x3FAD] =	sst s4  }
0xd: {  	[smem:$0x3FAE] =	sst s5  }
0xe: {  	[smem:$0x3FAF] =	sst s6  }
0xf: {  	[smem:$0x3FB0] =	sst s7  }
0x10: {  	[smem:$0x3FB1] =	sst s8  }
0x11: {  	[smem:$0x3FB2] =	sst s9;
	s0 =	simm.s32 @!p0 $0x0  }
0x12: {  	s1 =	sld [smem:$0x3F98];
	s0 =	simm.s32 @p0 $0x1  }
0x13: {  	[smem:$0x3FB3] =	sst s0;
	s0 =	simm.s32 @!p1 $0x0  }
0x14: {  	s2 =	sld [smem:$0x3F97];
	s0 =	simm.s32 @p1 $0x1  }
0x15: {  	[smem:$0x3FB4] =	sst s0;
	s0 =	simm.s32 @!p2 $0x0  }
0x16: {  	s3 =	sld [smem:$0x3FDB];
	s0 =	simm.s32 @p2 $0x1  }
0x17: {  	s4 =	simm.s32 $0x1BF5;
	[smem:$0x3FB6] =	sst s0  }
0x18: {  	s0 =	sld [smem:$0x3F99];
	_ =	swait.ge [sflag:s4], $0x0  }
0x19: {  	s7 =	sld [smem:$0x3F9A]  }
0x1a: {  	s8 =	sadd.s32 $0xFFFFE003, lr  }
0x1b: {  	s9 =	sadd.s32 $0xFFFFFEF7, lr;
	s5 =	simm.s32 $0xFFFFFFFF;
	p2 =	slt.u32 s8, $0xFFFFF086  }
0x1c: {  	p1 =	slt.u32 s9, $0xF7A;
	s5 =	simm.s32 @!p2 $0x0  }
0x1d: {  	s5 =	simm.s32 @p1 $0x1;
	p0 =	seq.s32 s7, s2  }
0x1e: {  	s7 =	smul.u32 @!p0 $0xF7A, s2;
	p2 =	seq.s32 @!p0 s5, $0x0  }
0x1f: {  	s9 =	smul.u32 $0xF7A, s1;
	s8 =	simm.s32 @!p0 $0x1BF5;
	p2 =	por !p2, p0  }
0x20: {  	[sflag:s8] =	ssyncset.s32 @!p0 $0xFFFFF086;
	s6 =	sadd.s32 @!p0 s3, s7;
	s7 =	simm.s32 @!p0 $0x108  }
0x21: {  	s3 =	sadd.s32 s3, s9;
	s6 =	sadd.s32 @!p0 $0x88, s6;
	s7 =	simm.s32 @p2 $0x1082  }
0x22: {  	[simem:s7], [sflag:s8] =	dma.local @!p0 [hbm:s6], $0xF7A  }
0x23: {  	s9 =	sor.u32 $0xD0000000, s2;
	s6 =	simm.s32 $0x108;
	_ =	swait.ge @!p0 [sflag:s8], $0x0  }
0x24: {  	s3 =	sadd.s32 $0x88, s3;
	s6 =	simm.s32 @!p1 $0x1082;
	[sflag:s4] =	ssyncset.s32 $0xFFFFF086  }
0x25: {  	[simem:s6], [sflag:s4] =	dma.local [hbm:s3], $0xF7A  }
0x26: {  	[smem:$0x3F9A] =	sst s1;
	(tag) =	ssettag s2;
	_ =	strace s9  }
0x27: {  	s1 =	sld [smem:$0x3FAA]  }
0x28: {  	s2 =	sld [smem:$0x3FAB]  }
0x29: {  	s4 =	sld [smem:$0x3FAD]  }
0x2a: {  	p0 =	seq.s32 s5, $0x0;
	s5 =	sld [smem:$0x3FAE]  }
0x2b: {  	s6 =	sld [smem:$0x3FAF]  }
0x2c: {  	s7 =	sld [smem:$0x3FB0]  }
0x2d: {  	s3 =	simm.s32 $0x108;
	s8 =	sld [smem:$0x3FB1]  }
0x2e: {  	s3 =	simm.s32 @!p0 $0x1082;
	s9 =	sld [smem:$0x3FB2]  }
0x2f: {  	lr =	sadd.s32 s0, s3;
	s0 =	sld [smem:$0x3FA9]  }
0x30: {  	s3 =	sld [smem:$0x3FAC]  }
0x31: {  	[smem:$0x3FB5] =	sst s10  }
0x32: {  	s10 =	sld [smem:$0x3FB3];
	_ =	sdelay $0x3  }
0x33: {  	p0 =	seq.s32 s10, $0x1;
	s10 =	sld [smem:$0x3FB5];
	_ =	sdelay $0x3  }
0x34: {  	[smem:$0x3FB5] =	sst s10  }
0x35: {  	s10 =	sld [smem:$0x3FB4];
	_ =	sdelay $0x3  }
0x36: {  	p1 =	seq.s32 s10, $0x1;
	s10 =	sld [smem:$0x3FB5];
	_ =	sdelay $0x3  }
0x37: {  	[smem:$0x3FB5] =	sst s10  }
0x38: {  	s10 =	sld [smem:$0x3FB6]  }
0x39: {  	_ = 	snop;
	(pc) =	sbr.ind lr, $3  }
0x3a: {  	_ = 	snop  }
0x3b: {  	_ = 	snop  }
0x3c: {  	p2 =	seq.s32 s10, $0x1;
	s10 =	sld [smem:$0x3FB5]  }
0x3d: {  	_ =	shalt  }
0x3e: {  	_ =	shalt  }
0x3f: {  	_ =	shalt  }
0x40: {  	_ =	shalt  }
0x41: {  	_ =	shalt  }
0x42: {  	_ =	shalt  }
0x43: {  	_ =	shalt  }
0x44: {  	_ =	shalt  }
0x45: {  	_ =	shalt  }
0x46: {  	_ =	shalt  }
0x47: {  	_ =	shalt  }
0x48: {  	_ =	shalt  }
0x49: {  	_ =	shalt  }
0x4a: {  	_ =	shalt  }
0x4b: {  	_ =	shalt  }
0x4c: {  	_ =	shalt  }
0x4d: {  	_ =	shalt  }
0x4e: {  	_ =	shalt  }
0x4f: {  	_ =	shalt  }
0x50: {  	_ =	shalt  }
0x51: {  	_ =	shalt  }
0x52: {  	_ =	shalt  }
0x53: {  	_ =	shalt  }
0x54: {  	_ =	shalt  }
0x55: {  	_ =	shalt  }
0x56: {  	_ =	shalt  }
0x57: {  	_ =	shalt  }
0x58: {  	_ =	shalt  }
0x59: {  	_ =	shalt  }
0x5a: {  	_ =	shalt  }
0x5b: {  	_ =	shalt  }
0x5c: {  	_ =	shalt  }
0x5d: {  	_ =	shalt  }
0x5e: {  	_ =	shalt  }
0x5f: {  	_ =	shalt  }
0x60: {  	_ =	shalt  }
0x61: {  	_ =	shalt  }
0x62: {  	_ =	shalt  }
0x63: {  	_ =	shalt  }
0x64: {  	_ =	shalt  }
0x65: {  	_ =	shalt  }
0x66: {  	_ =	shalt  }
0x67: {  	_ =	shalt  }
0x68: {  	_ =	shalt  }
0x69: {  	_ =	shalt  }
0x6a: {  	_ =	shalt  }
0x6b: {  	_ =	shalt  }
0x6c: {  	_ =	shalt  }
0x6d: {  	_ =	shalt  }
0x6e: {  	_ =	shalt  }
0x6f: {  	_ =	shalt  }
0x70: {  	_ =	shalt  }
0x71: {  	_ =	shalt  }
0x72: {  	_ =	shalt  }
0x73: {  	_ =	shalt  }
0x74: {  	_ =	shalt  }
0x75: {  	_ =	shalt  }
0x76: {  	_ =	shalt  }
0x77: {  	_ =	shalt  }
0x78: {  	_ =	shalt  }
0x79: {  	_ =	shalt  }
0x7a: {  	_ =	shalt  }
0x7b: {  	_ =	shalt  }
0x7c: {  	_ =	shalt  }
0x7d: {  	_ =	shalt  }
0x7e: {  	_ =	shalt  }
0x7f: {  	_ =	shalt  }
0x80: {  	_ =	shalt  }
0x81: {  	_ =	shalt  }
0x82: {  	_ =	shalt  }
0x83: {  	_ =	shalt  }
0x84: {  	_ =	shalt  }
0x85: {  	_ =	shalt  }
0x86: {  	_ =	shalt  }
0x87: {  	_ =	shalt  }
.Lfunc_end0:
.L_simem_size_0:
called_computation.1_lowered:
.L_overlay_start_0:
0x88: {  	s2 =	sld [smem:$0x3FD9]  }
0x89: {  	s3 =	sld [smem:$0x3FFE];
	_ =	sdelay $0x1  }
0x8a: {  	s1 =	srdreg.scid  }
0x8b: {  	s0 =	sand.u32 $0x1, s1  }
0x8c: {  	s17 =	sshll.u32 s0, $0xA;
	s2 =	sadd.s32 s3, s2  }
0x8d: {  	s2 =	sadd.s32 s2, s17  }
0x8e: {  	[smem:$0x3FC1] =	sst s2  }
0x8f: {  	_ = 	snop  }
0x90: {  	s4 =	sld [smem:$0x3FC9]  }
0x91: {  	s18 =	sld [smem:$0x3FD0];
	(tm) =	ssettm $0x1  }
0x92: {  	s19 =	sld [smem:$0x3FFB];
	_ =	sdelay $0x3  }
0x93: {  	_ =	strace s19  }
0x94: {  	s2 =	sld [smem:$0x3FFC];
	_ =	sdelay $0x3  }
0x95: {  	_ =	strace s2  }
0x96: {  	s2 =	sld [smem:$0x3FFD];
	_ =	sdelay $0x3  }
0x97: {  	_ =	strace s2  }
0x98: {  	_ =	strace $0x8FFFFFFF  }
0x99: {  	s20 =	sld [smem:$0x3FDB];
	_ =	sdelay $0x1  }
0x9a: {  	s5 =	simm.s32 $_scs_section_size  }
0x9b: {  	s6 =	simm.s32 $_size__tile_overlayer_lowered;
	s7 =	simm.s32 $_tile_overlayer_lowered  }
0x9c: {  	s8 =	simm.s32 $0x1BFF;
	s21 =	sshll.u32 s7, $0x1;
	s5 =	sadd.s32 s5, s20  }
0x9d: {  	s22 =	simm.s32 $0x0;
	s6 =	sshll.u32 s6, $0x1;
	s7 =	sadd.s32 s21, s5  }
0x9e: {  	[timem:s22], [sflag:s8] =	dma.local [hbm:s7], s6  }
0x9f: {  	_ =	swait.ge [sflag:s8], s6  }
0xa0: {  	s6 =	ssub.s32 $0x0, s6;
	[sflag:s8] =	ssyncset.done $0x0  }
0xa1: {  	[sflag:s8] =	ssyncadd.s32 s6;
	_ =	sdelay $0x1  }
0xa2: {  	s23 =	simm.s32 $0x1B8B  }
0xa3: {  	_ =	swait.ge [sflag:s23], $0x1  }
0xa4: {  	[sflag:s23] =	ssyncset.done $0x0  }
0xa5: {  	[sflag:s23] =	ssyncadd.s32 $0xFFFFFFFF  }
0xa6: {  	s6 =	sld [smem:$0x0]  }
0xa7: {  	s7 =	sand.u32 $0xFFFFFFFE, s1  }
0xa8: {  	p0 =	sne.s32 s1, s7  }
0xa9: {  	s7 =	sshll.u32 @p0 s7, $0xE  }
0xaa: {  	s7 =	sadd.s32 @p0 $0x11B8D, s7;
	s8 =	sshll.u32 @p0 s6, $0x11  }
0xab: {  	s7 =	sor.u32 @p0 s8, s7  }
0xac: {  	[sflag:s7] =	ssyncadd.remote.s32 @p0 $0x1;
	_ =	sdelay $0x1  }
0xad: {  	s7 =	simm.s32 @p0 $0x1B8D  }
0xae: {  	_ =	swait.eq @p0 [sflag:s7], $0x1  }
0xaf: {  	[sflag:s7] =	ssyncadd.s32 @p0 $0xFFFFFFFF  }
0xb0: {  	s8 =	sshll.u32 @!p0 s1, $0xE  }
0xb1: {  	s8 =	sor.u32 @!p0 $0x4000, s8;
	s7 =	simm.s32 @!p0 $0x1B8D  }
0xb2: {  	s6 =	sshll.u32 @!p0 s6, $0x11;
	s8 =	sadd.s32 @!p0 $0x11B8D, s8;
	_ =	swait.eq @!p0 [sflag:s7], $0x1  }
0xb3: {  	s6 =	sor.u32 @!p0 s6, s8;
	[sflag:s7] =	ssyncadd.s32 @!p0 $0xFFFFFFFF  }
0xb4: {  	s25 =	simm.s32 $0x1B8E;
	s24 =	sld [smem:$0x3FFE];
	[sflag:s6] =	ssyncadd.remote.s32 @!p0 $0x1  }
0xb5: {  	s26 =	simm.s32 $execute0_lowered;
	[smem:$0x3FD2] =	sst s25  }
0xb6: {  	s7 =	sshll.u32 s26, $0x1;
	_ =	strace $0x80000049;
	[dreg:$0x1] =	wrdreg $0xFFFFFFFF  }
0xb7: {  	s28 =	simm.s32 $_size_execute0_lowered;
	s5 =	sadd.s32 s5, s7;
	[dreg:$0x0] =	wrdreg $0x0  }
0xb8: {  	s7 =	sshll.u32 s28, $0x1;
	[dreg:$0x2] =	wrdreg s5  }
0xb9: {  	[dreg:$0x3] =	wrdreg s7  }
0xba: {  	[dreg:$0x4] =	wrdreg $0xC0  }
0xbb: {  	_ =	task [dreg:s22], $0x5FFFF  }
0xbc: {  	[dreg:$0x1] =	wrdreg $0xFFFFFFFF  }
0xbd: {  	[dreg:$0x0] =	wrdreg $0x60  }
0xbe: {  	[dreg:$0x2] =	wrdreg s4  }
0xbf: {  	[dreg:$0x3] =	wrdreg s24  }
0xc0: {  	[dreg:$0x4] =	wrdreg s18  }
0xc1: {  	[dreg:$0x5] =	wrdreg $0xA  }
0xc2: {  	_ =	task.clear_ibuf [dreg:s22], $0x6FFFF;
	_ =	strace $0x90000049  }
0xc3: {  	s29 =	simm.s32 $0xA;
	_ =	strace $0x8000004B  }
0xc4: {  	_ =	swait.ge [sflag:s29], $0x1  }
0xc5: {  	[sflag:s29] =	ssyncadd.s32 $0xFFFFFFFF  }
0xc6: {  	_ =	strace $0x9000004B  }
0xc7: {  	_ =	sfence  }
0xc8: {  	s30 =	sld [smem:$0x0];
	_ =	sdelay $0x2  }
0xc9: {  	s31 =	sshll.u32 s1, $0xD;
	s1 =	sshrl.u32 s1, $0x2  }
0xca: {  	s4 =	sand.u32 $0x4000, s31;
	s1 =	sadd.s32 s1, s30  }
0xcb: {  	s0 =	sor.u32 s4, s0;
	s1 =	sshll.u32 s1, $0x11  }
0xcc: {  	s0 =	sor.u32 s1, s0  }
0xcd: {  	s0 =	sadd.s32 $0x8F2B, s0  }
0xce: {  	[sflag:s0] =	ssyncadd.remote.s32 $0x1  }
0xcf: {  	_ =	sfence.sel $0xFFFF  }
0xd0: {  	[dreg:$0x0] =	wrdreg $0xFFFFFFFF;
	(pc) =	sbr.abs _section_cstart, $3  }
0xd1: {  	[dreg:$0x1] =	wrdreg $0xFFFFFFFF  }
0xd2: {  	_ =	task.clear_ibuf [dreg:s22], $0x2FFFF;
	_ =	strace $0x9FFFFFFF  }
0xd3: {  	(tm) =	ssettm $0x7FFFFFFF  }
tec
execute0_lowered:
.L_overlay_start_1:
0x0: {  	(tag) =	ssettag $0x1  }
0x1: {  	s0 =	srdreg.scid;
	s1 =	rddreg [dreg:$0x0]  }
0x2: {  	s7 =	stileid.u32;
	s2 =	rddreg [dreg:$0x1];
	s9 =	simm.s32 $0x2  }
0x3: {  	s23 =	simm.s32 $0x10000;
	s24 =	simm.s32 $0x10080;
	s25 =	simm.s32 $0x10100  }
0x4: {  	s26 =	simm.s32 $0x10180;
	s10 =	simm.s32 $0x1;
	s15 =	simm.s32 $0xC000  }
0x5: {  	s16 =	simm.s32 $0x1800;
	s17 =	simm.s32 $0x2000;
	s18 =	simm.s32 $0x2800  }
0x6: {  	s28 =	simm.s32 $0x7000;
	s29 =	simm.s32 $0x7800;
	s30 =	simm.s32 $0x8000  }
0x7: {  	s31 =	simm.s32 $0x8800;
	s11 =	simm.s32 $0xB000;
	s0 =	sand.u32 $0x1, s0  }
0x8: {  	s14 =	simm.s32 $0xB800;
	s3 =	sshll.u32 s7, $0x7;
	s4 =	sshll.u32 s0, $0x6  }
0x9: {  	s7 =	sshll.u32 s7, $0x9;
	s0 =	ssub.s32 $0x2, s0;
	s5 =	sor.u32 s4, s3  }
0xa: {  	s3 =	simm.s32 $0x0;
	s4 =	sor.u32 s4, s7;
	s21 =	sshrl.u32 s0, $0x1  }
0xb: {  	s7 =	sadd.s32 $0x10E00, s2;
	s6 =	sshrl.u32 s5, $0x3;
	[smem:$0x7FF] =	sst s3  }
0xc: {  	s5 =	sshll.u32 s5, $0x4;
	s4 =	sshrl.u32 s4, $0x3;
	s0 =	ssub.s32 s0, s21  }
0xd: {  	s21 =	simm.s32 $0x4000;
	_ =	strace $0x8000004A;
	[dreg:$0x8] =	wrdreg s23  }
0xe: {  	s6 =	smul.u32 $0x300, s6;
	s5 =	sadd.s32 s2, s5;
	[dreg:$0x9] =	wrdreg s24  }
0xf: {  	s4 =	sadd.s32 s4, s2;
	s8 =	smax.u32 s0, $0x1;
	[dreg:$0xa] =	wrdreg s25  }
0x10: {  	[dreg:$0xb] =	wrdreg s26;
	s23 =	simm.s32 $0x5000;
	s24 =	simm.s32 $0x5800  }
0x11: {  	s25 =	simm.s32 $0x6000;
	[dreg:$0xc] =	wrdreg s5;
	s19 =	sadd.s32 $0x8000, s5  }
0x12: {  	s26 =	simm.s32 $0x6800;
	s20 =	sadd.s32 $0x10000, s4;
	[dreg:$0x5] =	wrdreg s19  }
0x13: {  	s22 =	sadd.s32 $0x10010, s4;
	s5 =	sadd.s32 $0x10C00, s2;
	[dreg:$0x6] =	wrdreg s20  }
0x14: {  	v2 =	vlaneseq.u32;
	s4 =	simm.s32 $0xA800;
	s1 =	sadd.s32 s1, s6;
	[dreg:$0x7] =	wrdreg s22  }
0x15: {  	vm0 =	vmmov $0xffff;
	v1 =	vshrl.u32 v2, $0x3;
	s6 =	sadd.s32 $0x10D00, s2;
	s19 =	simm.s32 $0x3000;
	s20 =	simm.s32 $0x3800  }
0x16: {  	v0 =	vand.u32 $0x7, v2;
	v2 =	vor.u32 $0x8, v2;
	v1 =	vmul.u32 $0x8, v1;
	s22 =	simm.s32 $0x4800;
	s2 =	simm.s32 $0xA000;
	[dreg:$0x4] =	wrdreg s1  }
.LBB2_1:
0x17: {  	s12 =	rddreg [dreg:$0x4]  }
0x18: {  	[tilespmem:s3], [sflag:$0x2] =	stream.linear.gather [hbm4b:s12+s3], $0xC000, $0x38;
	[tilespmem:$0x10200] =	vst v63  }
0x19: {  	_ =	swait.ge [sflag:s9], $0xC000  }
0x1a: {  	[sflag:s9] =	ssyncset.done $0x0  }
0x1b: {  	s1 =	rddreg [dreg:$0xc];
	[sflag:s9] =	ssyncadd.s32 $0xFFFF4000  }
0x1c: {  	[tilespmem:s15], [sflag:$0x2] =	stream.linear.gather [hbm4b:s1+s3], $0x2000, $0x38;
	[tilespmem:$0x10200] =	vst v63  }
0x1d: {  	_ =	swait.ge [sflag:s9], $0x2000  }
0x1e: {  	[sflag:s9] =	ssyncset.done $0x0  }
0x1f: {  	s0 =	simm.s32 $0xE000;
	s13 =	rddreg [dreg:$0x5];
	[sflag:s9] =	ssyncadd.s32 $0xFFFFE000  }
0x20: {  	[tilespmem:s0], [sflag:$0x2] =	stream.linear.gather [hbm4b:s13+s3], $0x2000, $0x38;
	[tilespmem:$0x10200] =	vst v63  }
0x21: {  	_ =	swait.ge [sflag:s9], $0x2000  }
0x22: {  	s1 =	rddreg [dreg:$0x6];
	[sflag:s9] =	ssyncset.done $0x0  }
0x23: {  	s13 =	rddreg [dreg:$0x8];
	[sflag:s9] =	ssyncadd.s32 $0xFFFFE000  }
0x24: {  	[tilespmem:s13], [sflag:$0x2] =	stream.linear.gather [hbm4b:s1+s3], $0x40, $0x38;
	[tilespmem:$0x10200] =	vst v63  }
0x25: {  	_ =	swait.ge [sflag:s9], $0x40  }
0x26: {  	s13 =	rddreg [dreg:$0x7];
	[sflag:s9] =	ssyncset.done $0x0  }
0x27: {  	s0 =	rddreg [dreg:$0x9];
	[sflag:s9] =	ssyncadd.s32 $0xFFFFFFC0  }
0x28: {  	[tilespmem:s0], [sflag:$0x2] =	stream.linear.gather [hbm4b:s13+s3], $0x40, $0x38;
	[tilespmem:$0x10200] =	vst v63  }
0x29: {  	_ =	swait.ge [sflag:s9], $0x40  }
0x2a: {  	[sflag:s9] =	ssyncset.done $0x0  }
0x2b: {  	[sflag:s9] =	ssyncadd.s32 $0xFFFFFFC0  }
0x2c: {  	v3 =	vld [tilespmem:$0x10000];
	_ =	sdelay $0x4  }
0x2d: {  	v3 =	vtrunc.f32 v3  }
0x2e: {  	v3 =	vcvt.f32.s32 v3;
	_ =	sdelay $0x1  }
0x2f: {  	v5 =	vld [tilespmem:$0x10010];
	[tilespmem:$0x10100] =	vst v3  }
0x30: {  	v4 =	vld [tilespmem:$0x10100]  }
0x31: {  	v6 =	vld [tilespmem:$0x10090]  }
0x32: {  	v3 =	vld [tilespmem:$0x10080]  }
0x33: {  	v11 =	vld [tilespmem:$0x100B0];
	_ =	sdelay $0x1  }
0x34: {  	v7 =	vld [tilespmem:$0x10020];
	v9 =	vshrl.u32 v4, $0x3  }
0x35: {  	v8 =	vld [tilespmem:$0x100A0];
	v5 =	vtrunc.f32 v5;
	v6 =	vtrunc.f32 v6;
	v9 =	vmul.u32 $0x30, v9  }
0x36: {  	v10 =	vld [tilespmem:$0x10030];
	v5 =	vcvt.f32.s32 v5;
	v3 =	vtrunc.f32 v3;
	v4 =	vand.u32 $0x7, v4  }
0x37: {  	v55 =	vtrunc.f32 v11;
	v3 =	vcvt.f32.s32 v3;
	v4 =	vor.u32 v4, v9  }
0x38: {  	v6 =	vcvt.f32.s32 v6;
	[tilespmem:$0x10110] =	vst v5;
	v52 =	vperm.xlane v4, v0  }
0x39: {  	v56 =	vcvt.f32.s32 v55;
	[tilespmem:$0x10180] =	vst v3;
	v3 =	vtrunc.f32 v7  }
0x3a: {  	v53 =	vtrunc.f32 v8;
	[tilespmem:$0x10190] =	vst v6;
	v3 =	vcvt.f32.s32 v3;
	v7 =	vadd.s32 v1, v52  }
0x3b: {  	v54 =	vtrunc.f32 v10;
	v5 =	vcvt.f32.s32 v53;
	[tilespmem:$0x101B0] =	vst v56  }
0x3c: {  	[tilespmem:$0x10120] =	vst v3;
	v3 =	vcvt.f32.s32 v54  }
0x3d: {  	[tilespmem:$0x101A0] =	vst v5  }
0x3e: {  	[tilespmem:$0x10130] =	vst v3;
	v3 =	vperm.xlane v4, v2  }
0x3f: {  	[hbm4b:s5+s3] =	stream.indirect_vreg.scatter [tilespmem:s3], [sflag:$0x1], $0x80, v7, vm0, $0xb8;
	[tilespmem:$0x10200] =	vst v63  }
0x40: {  	s12 =	simm.s32 $0x800;
	v3 =	vadd.s32 v1, v3  }
0x41: {  	[hbm4b:s6+s3] =	stream.indirect_vreg.scatter [tilespmem:s12], [sflag:$0x1], $0x80, v7, vm0, $0xb8;
	[tilespmem:$0x10200] =	vst v63  }
0x42: {  	s13 =	simm.s32 $0x1000  }
0x43: {  	[hbm4b:s7+s3] =	stream.indirect_vreg.scatter [tilespmem:s13], [sflag:$0x1], $0x80, v7, vm0, $0xb8;
	[tilespmem:$0x10200] =	vst v63  }
0x44: {  	_ = 	snop  }
0x45: {  	[hbm4b:s5+s3] =	stream.indirect_vreg.scatter [tilespmem:s16], [sflag:$0x1], $0x80, v3, vm0, $0xb8;
	[tilespmem:$0x10200] =	vst v63  }
0x46: {  	_ = 	snop  }
0x47: {  	[hbm4b:s6+s3] =	stream.indirect_vreg.scatter [tilespmem:s17], [sflag:$0x1], $0x80, v3, vm0, $0xb8;
	[tilespmem:$0x10200] =	vst v63  }
0x48: {  	_ = 	snop  }
0x49: {  	[hbm4b:s7+s3] =	stream.indirect_vreg.scatter [tilespmem:s18], [sflag:$0x1], $0x80, v3, vm0, $0xb8;
	[tilespmem:$0x10200] =	vst v63  }
0x4a: {  	v3 =	vld [tilespmem:$0x10110];
	_ =	sdelay $0x4  }
0x4b: {  	v57 =	vshrl.u32 v3, $0x3  }
0x4c: {  	v4 =	vmul.u32 $0x30, v57  }
0x4d: {  	v3 =	vand.u32 $0x7, v3  }
0x4e: {  	v3 =	vor.u32 v3, v4  }
0x4f: {  	v4 =	vperm.xlane v3, v0;
	_ =	sdelay $0x1  }
0x50: {  	v4 =	vadd.s32 v1, v4;
	_ =	sdelay $0x3  }
0x51: {  	v3 =	vperm.xlane v3, v2  }
0x52: {  	[hbm4b:s5+s3] =	stream.indirect_vreg.scatter [tilespmem:s19], [sflag:$0x1], $0x80, v4, vm0, $0xb8;
	[tilespmem:$0x10200] =	vst v63  }
0x53: {  	v3 =	vadd.s32 v1, v3  }
0x54: {  	[hbm4b:s6+s3] =	stream.indirect_vreg.scatter [tilespmem:s20], [sflag:$0x1], $0x80, v4, vm0, $0xb8;
	[tilespmem:$0x10200] =	vst v63  }
0x55: {  	_ = 	snop  }
0x56: {  	[hbm4b:s7+s3] =	stream.indirect_vreg.scatter [tilespmem:s21], [sflag:$0x1], $0x80, v4, vm0, $0xb8;
	[tilespmem:$0x10200] =	vst v63  }
0x57: {  	_ = 	snop  }
0x58: {  	[hbm4b:s5+s3] =	stream.indirect_vreg.scatter [tilespmem:s22], [sflag:$0x1], $0x80, v3, vm0, $0xb8;
	[tilespmem:$0x10200] =	vst v63  }
0x59: {  	_ = 	snop  }
0x5a: {  	[hbm4b:s6+s3] =	stream.indirect_vreg.scatter [tilespmem:s23], [sflag:$0x1], $0x80, v3, vm0, $0xb8;
	[tilespmem:$0x10200] =	vst v63  }
0x5b: {  	_ = 	snop  }
0x5c: {  	[hbm4b:s7+s3] =	stream.indirect_vreg.scatter [tilespmem:s24], [sflag:$0x1], $0x80, v3, vm0, $0xb8;
	[tilespmem:$0x10200] =	vst v63  }
0x5d: {  	v3 =	vld [tilespmem:$0x10120];
	_ =	sdelay $0x4  }
0x5e: {  	v58 =	vshrl.u32 v3, $0x3  }
0x5f: {  	v4 =	vmul.u32 $0x30, v58  }
0x60: {  	v3 =	vand.u32 $0x7, v3  }
0x61: {  	v3 =	vor.u32 v3, v4  }
0x62: {  	v4 =	vperm.xlane v3, v0;
	_ =	sdelay $0x1  }
0x63: {  	v4 =	vadd.s32 v1, v4;
	_ =	sdelay $0x3  }
0x64: {  	v3 =	vperm.xlane v3, v2  }
0x65: {  	[hbm4b:s5+s3] =	stream.indirect_vreg.scatter [tilespmem:s25], [sflag:$0x1], $0x80, v4, vm0, $0xb8;
	[tilespmem:$0x10200] =	vst v63  }
0x66: {  	v3 =	vadd.s32 v1, v3  }
0x67: {  	[hbm4b:s6+s3] =	stream.indirect_vreg.scatter [tilespmem:s26], [sflag:$0x1], $0x80, v4, vm0, $0xb8;
	[tilespmem:$0x10200] =	vst v63  }
0x68: {  	_ = 	snop  }
0x69: {  	[hbm4b:s7+s3] =	stream.indirect_vreg.scatter [tilespmem:s28], [sflag:$0x1], $0x80, v4, vm0, $0xb8;
	[tilespmem:$0x10200] =	vst v63  }
0x6a: {  	_ = 	snop  }
0x6b: {  	[hbm4b:s5+s3] =	stream.indirect_vreg.scatter [tilespmem:s29], [sflag:$0x1], $0x80, v3, vm0, $0xb8;
	[tilespmem:$0x10200] =	vst v63  }
0x6c: {  	_ = 	snop  }
0x6d: {  	[hbm4b:s6+s3] =	stream.indirect_vreg.scatter [tilespmem:s30], [sflag:$0x1], $0x80, v3, vm0, $0xb8;
	[tilespmem:$0x10200] =	vst v63  }
0x6e: {  	_ = 	snop  }
0x6f: {  	[hbm4b:s7+s3] =	stream.indirect_vreg.scatter [tilespmem:s31], [sflag:$0x1], $0x80, v3, vm0, $0xb8;
	[tilespmem:$0x10200] =	vst v63  }
0x70: {  	v3 =	vld [tilespmem:$0x10130];
	_ =	sdelay $0x4  }
0x71: {  	v59 =	vshrl.u32 v3, $0x3  }
0x72: {  	v4 =	vmul.u32 $0x30, v59  }
0x73: {  	v3 =	vand.u32 $0x7, v3  }
0x74: {  	v3 =	vor.u32 v3, v4  }
0x75: {  	v4 =	vperm.xlane v3, v0;
	_ =	sdelay $0x1  }
0x76: {  	v4 =	vadd.s32 v1, v4;
	_ =	sdelay $0x3  }
0x77: {  	s1 =	simm.s32 $0x9000;
	v3 =	vperm.xlane v3, v2  }
0x78: {  	[hbm4b:s5+s3] =	stream.indirect_vreg.scatter [tilespmem:s1], [sflag:$0x1], $0x80, v4, vm0, $0xb8;
	[tilespmem:$0x10200] =	vst v63  }
0x79: {  	s0 =	simm.s32 $0x9800;
	v3 =	vadd.s32 v1, v3  }
0x7a: {  	[hbm4b:s6+s3] =	stream.indirect_vreg.scatter [tilespmem:s0], [sflag:$0x1], $0x80, v4, vm0, $0xb8;
	[tilespmem:$0x10200] =	vst v63  }
0x7b: {  	_ = 	snop  }
0x7c: {  	[hbm4b:s7+s3] =	stream.indirect_vreg.scatter [tilespmem:s2], [sflag:$0x1], $0x80, v4, vm0, $0xb8;
	[tilespmem:$0x10200] =	vst v63  }
0x7d: {  	_ = 	snop  }
0x7e: {  	[hbm4b:s5+s3] =	stream.indirect_vreg.scatter [tilespmem:s4], [sflag:$0x1], $0x80, v3, vm0, $0xb8;
	[tilespmem:$0x10200] =	vst v63  }
0x7f: {  	_ = 	snop  }
0x80: {  	[hbm4b:s6+s3] =	stream.indirect_vreg.scatter [tilespmem:s11], [sflag:$0x1], $0x80, v3, vm0, $0xb8;
	[tilespmem:$0x10200] =	vst v63  }
0x81: {  	_ = 	snop  }
0x82: {  	[hbm4b:s7+s3] =	stream.indirect_vreg.scatter [tilespmem:s14], [sflag:$0x1], $0x80, v3, vm0, $0xb8;
	[tilespmem:$0x10200] =	vst v63  }
0x83: {  	_ =	swait.ge [sflag:s10], $0xC000  }
0x84: {  	[sflag:s10] =	ssyncset.done $0x0  }
0x85: {  	[sflag:s10] =	ssyncadd.s32 $0xFFFF4000  }
0x86: {  	v3 =	vld [tilespmem:$0x10180];
	_ =	sdelay $0x4  }
0x87: {  	v60 =	vshrl.u32 v3, $0x3  }
0x88: {  	v4 =	vmul.u32 $0x30, v60  }
0x89: {  	v3 =	vand.u32 $0x7, v3  }
0x8a: {  	v3 =	vor.u32 v3, v4  }
0x8b: {  	v4 =	vperm.xlane v3, v0;
	_ =	sdelay $0x1  }
0x8c: {  	v4 =	vadd.s32 v1, v4;
	_ =	sdelay $0x3  }
0x8d: {  	v3 =	vperm.xlane v3, v2  }
0x8e: {  	[hbm4b:s5+s3] =	stream.indirect_vreg.scatter [tilespmem:s3], [sflag:$0x1], $0x80, v4, vm0, $0xb8;
	[tilespmem:$0x10200] =	vst v63  }
0x8f: {  	v3 =	vadd.s32 v1, v3  }
0x90: {  	[hbm4b:s6+s3] =	stream.indirect_vreg.scatter [tilespmem:s12], [sflag:$0x1], $0x80, v4, vm0, $0xb8;
	[tilespmem:$0x10200] =	vst v63  }
0x91: {  	_ = 	snop  }
0x92: {  	[hbm4b:s7+s3] =	stream.indirect_vreg.scatter [tilespmem:s13], [sflag:$0x1], $0x80, v4, vm0, $0xb8;
	[tilespmem:$0x10200] =	vst v63  }
0x93: {  	_ = 	snop  }
0x94: {  	[hbm4b:s5+s3] =	stream.indirect_vreg.scatter [tilespmem:s16], [sflag:$0x1], $0x80, v3, vm0, $0xb8;
	[tilespmem:$0x10200] =	vst v63  }
0x95: {  	_ = 	snop  }
0x96: {  	[hbm4b:s6+s3] =	stream.indirect_vreg.scatter [tilespmem:s17], [sflag:$0x1], $0x80, v3, vm0, $0xb8;
	[tilespmem:$0x10200] =	vst v63  }
0x97: {  	_ = 	snop  }
0x98: {  	[hbm4b:s7+s3] =	stream.indirect_vreg.scatter [tilespmem:s18], [sflag:$0x1], $0x80, v3, vm0, $0xb8;
	[tilespmem:$0x10200] =	vst v63  }
0x99: {  	v3 =	vld [tilespmem:$0x10190];
	_ =	sdelay $0x4  }
0x9a: {  	v61 =	vshrl.u32 v3, $0x3  }
0x9b: {  	v4 =	vmul.u32 $0x30, v61  }
0x9c: {  	v3 =	vand.u32 $0x7, v3  }
0x9d: {  	v3 =	vor.u32 v3, v4  }
0x9e: {  	v4 =	vperm.xlane v3, v0;
	_ =	sdelay $0x1  }
0x9f: {  	v4 =	vadd.s32 v1, v4;
	_ =	sdelay $0x3  }
0xa0: {  	v3 =	vperm.xlane v3, v2  }
0xa1: {  	[hbm4b:s5+s3] =	stream.indirect_vreg.scatter [tilespmem:s19], [sflag:$0x1], $0x80, v4, vm0, $0xb8;
	[tilespmem:$0x10200] =	vst v63  }
0xa2: {  	v3 =	vadd.s32 v1, v3  }
0xa3: {  	[hbm4b:s6+s3] =	stream.indirect_vreg.scatter [tilespmem:s20], [sflag:$0x1], $0x80, v4, vm0, $0xb8;
	[tilespmem:$0x10200] =	vst v63  }
0xa4: {  	_ = 	snop  }
0xa5: {  	[hbm4b:s7+s3] =	stream.indirect_vreg.scatter [tilespmem:s21], [sflag:$0x1], $0x80, v4, vm0, $0xb8;
	[tilespmem:$0x10200] =	vst v63  }
0xa6: {  	_ = 	snop  }
0xa7: {  	[hbm4b:s5+s3] =	stream.indirect_vreg.scatter [tilespmem:s22], [sflag:$0x1], $0x80, v3, vm0, $0xb8;
	[tilespmem:$0x10200] =	vst v63  }
0xa8: {  	_ = 	snop  }
0xa9: {  	[hbm4b:s6+s3] =	stream.indirect_vreg.scatter [tilespmem:s23], [sflag:$0x1], $0x80, v3, vm0, $0xb8;
	[tilespmem:$0x10200] =	vst v63  }
0xaa: {  	_ = 	snop  }
0xab: {  	[hbm4b:s7+s3] =	stream.indirect_vreg.scatter [tilespmem:s24], [sflag:$0x1], $0x80, v3, vm0, $0xb8;
	[tilespmem:$0x10200] =	vst v63  }
0xac: {  	v3 =	vld [tilespmem:$0x101A0];
	_ =	sdelay $0x4  }
0xad: {  	v62 =	vshrl.u32 v3, $0x3  }
0xae: {  	v4 =	vmul.u32 $0x30, v62  }
0xaf: {  	v3 =	vand.u32 $0x7, v3  }
0xb0: {  	v3 =	vor.u32 v3, v4  }
0xb1: {  	v4 =	vperm.xlane v3, v0;
	_ =	sdelay $0x1  }
0xb2: {  	v4 =	vadd.s32 v1, v4;
	_ =	sdelay $0x3  }
0xb3: {  	v3 =	vperm.xlane v3, v2  }
0xb4: {  	[hbm4b:s5+s3] =	stream.indirect_vreg.scatter [tilespmem:s25], [sflag:$0x1], $0x80, v4, vm0, $0xb8;
	[tilespmem:$0x10200] =	vst v63  }
0xb5: {  	v3 =	vadd.s32 v1, v3  }
0xb6: {  	[hbm4b:s6+s3] =	stream.indirect_vreg.scatter [tilespmem:s26], [sflag:$0x1], $0x80, v4, vm0, $0xb8;
	[tilespmem:$0x10200] =	vst v63  }
0xb7: {  	_ = 	snop  }
0xb8: {  	[hbm4b:s7+s3] =	stream.indirect_vreg.scatter [tilespmem:s28], [sflag:$0x1], $0x80, v4, vm0, $0xb8;
	[tilespmem:$0x10200] =	vst v63  }
0xb9: {  	_ = 	snop  }
0xba: {  	[hbm4b:s5+s3] =	stream.indirect_vreg.scatter [tilespmem:s29], [sflag:$0x1], $0x80, v3, vm0, $0xb8;
	[tilespmem:$0x10200] =	vst v63  }
0xbb: {  	_ = 	snop  }
0xbc: {  	[hbm4b:s6+s3] =	stream.indirect_vreg.scatter [tilespmem:s30], [sflag:$0x1], $0x80, v3, vm0, $0xb8;
	[tilespmem:$0x10200] =	vst v63  }
0xbd: {  	_ = 	snop  }
0xbe: {  	[hbm4b:s7+s3] =	stream.indirect_vreg.scatter [tilespmem:s31], [sflag:$0x1], $0x80, v3, vm0, $0xb8;
	[tilespmem:$0x10200] =	vst v63  }
0xbf: {  	v3 =	vld [tilespmem:$0x101B0];
	_ =	sdelay $0x4  }
0xc0: {  	v63 =	vshrl.u32 v3, $0x3  }
0xc1: {  	v4 =	vmul.u32 $0x30, v63  }
0xc2: {  	v3 =	vand.u32 $0x7, v3  }
0xc3: {  	v3 =	vor.u32 v3, v4  }
0xc4: {  	v4 =	vperm.xlane v3, v0;
	_ =	sdelay $0x1  }
0xc5: {  	v4 =	vadd.s32 v1, v4;
	_ =	sdelay $0x3  }
0xc6: {  	v3 =	vperm.xlane v3, v2  }
0xc7: {  	[hbm4b:s5+s3] =	stream.indirect_vreg.scatter [tilespmem:s1], [sflag:$0x1], $0x80, v4, vm0, $0xb8;
	[tilespmem:$0x10200] =	vst v63  }
0xc8: {  	v3 =	vadd.s32 v1, v3  }
0xc9: {  	[hbm4b:s6+s3] =	stream.indirect_vreg.scatter [tilespmem:s0], [sflag:$0x1], $0x80, v4, vm0, $0xb8;
	[tilespmem:$0x10200] =	vst v63  }
0xca: {  	_ = 	snop  }
0xcb: {  	[hbm4b:s7+s3] =	stream.indirect_vreg.scatter [tilespmem:s2], [sflag:$0x1], $0x80, v4, vm0, $0xb8;
	[tilespmem:$0x10200] =	vst v63  }
0xcc: {  	_ = 	snop  }
0xcd: {  	[hbm4b:s5+s3] =	stream.indirect_vreg.scatter [tilespmem:s4], [sflag:$0x1], $0x80, v3, vm0, $0xb8;
	[tilespmem:$0x10200] =	vst v63  }
0xce: {  	_ = 	snop  }
0xcf: {  	[hbm4b:s6+s3] =	stream.indirect_vreg.scatter [tilespmem:s11], [sflag:$0x1], $0x80, v3, vm0, $0xb8;
	[tilespmem:$0x10200] =	vst v63  }
0xd0: {  	_ = 	snop  }
0xd1: {  	[hbm4b:s7+s3] =	stream.indirect_vreg.scatter [tilespmem:s14], [sflag:$0x1], $0x80, v3, vm0, $0xb8;
	[tilespmem:$0x10200] =	vst v63  }
0xd2: {  	_ =	swait.ge [sflag:s10], $0xC000  }
0xd3: {  	[sflag:s10] =	ssyncset.done $0x0  }
0xd4: {  	s1 =	rddreg [dreg:$0xa];
	[sflag:s10] =	ssyncadd.s32 $0xFFFF4000  }
0xd5: {  	s0 =	simm.s32 $0x40;
	s13 =	rddreg [dreg:$0x2]  }
0xd6: {  	[hbm4b:s13+s0] =	stream.indirect.scatter [tilespmem:s15], [sflag:$0x1], $0x80, s1, s0, $0xb8;
	[tilespmem:$0x10200] =	vst v63  }
0xd7: {  	_ =	swait.ge [sflag:s10], $0x2000  }
0xd8: {  	p0 =	sne.s32 s8, $0x1;
	s1 =	simm.s32 $0xE000;
	[sflag:s10] =	ssyncset.done $0x0  }
.Ltmp0:
0xd9: {  	s12 =	rddreg [dreg:$0xb];
	[sflag:s10] =	ssyncadd.s32 $0xFFFFE000;
	(pc) =	sbr.rel @p0 .LBB2_1-.Ltmp0, $4  }
0xda: {  	[hbm4b:s13+s0] =	stream.indirect.scatter [tilespmem:s1], [sflag:$0x1], $0x80, s12, s0, $0xb8;
	[tilespmem:$0x10200] =	vst v63  }
0xdb: {  	_ =	swait.ge [sflag:s10], $0x2000  }
0xdc: {  	[sflag:s10] =	ssyncset.done $0x0  }
0xdd: {  	s8 =	sadd.s32 $0xFFFFFFFF, s8;
	[sflag:s10] =	ssyncadd.s32 $0xFFFFE000  }
0xde: {  	_ =	sfence.sel $0x180000  }
0xdf: {  	[bflag:$0x0] =	sbarrier.arrive $0xFFFF  }
0xe0: {  	_ =	strace $0x9000004A  }
0xe1: {  	s0 =	stileid.u32;
	[bflag:$0x2] =	sbarrier.arrive $0xFFFF  }
0xe2: {  	p0 =	sne.s32 s0, $0x0;
	s0 =	rddreg [dreg:$0x3]  }
0xe3: {  	s0 =	sadd.s32 @!p0 $0x100000, s0  }
0xe4: {  	[sflag:s0] =	ssyncadd.tile.s32 @!p0 $0x1;
	_ =	shalt  }
.Lfunc_end2:
_tile_overlayer_lowered:
.L_overlay_start_2:
0xe5: {  	(tag) =	ssettag $0x2  }
0xe6: {  	s0 =	rddreg [dreg:$0x0];
	s2 =	stileid.u32  }
0xe7: {  	s1 =	rddreg [dreg:$0x1];
	p0 =	sne.s32 s2, $0x0  }
0xe8: {  	s3 =	rddreg [dreg:$0x2];
	[bflag:$0x3] =	sbarrier.arrive $0xFFFF;
	s2 =	simm.s32 @!p0 $0x1C02  }
0xe9: {  	[timem:s3], [sflag:s2] =	dma.local @!p0 [hbm:s0], s1  }
0xea: {  	s0 =	simm.s32 @!p0 $0x2  }
0xeb: {  	_ =	swait.ge @!p0 [sflag:s0], s1  }
0xec: {  	s1 =	ssub.s32 @!p0 $0x0, s1;
	[sflag:s0] =	ssyncset.done @!p0 $0x0  }
0xed: {  	[sflag:s0] =	ssyncadd.s32 @!p0 s1  }
0xee: {  	[bflag:$0x3] =	sbarrier.arrive $0xFFFF  }
0xef: {  	_ =	shalt  }

// kernel: scatter_offload_async_start
scs
__scs_entry_jumppad:
0x0: {  	(pc) =	sbr.rel $0x88, $3  }
0x1: {  	(tag) =	ssettag $0x0;
	lr =	simm.s32 $0x1  }
0x2: {  	[smem:$0x3F9A] =	sst lr;
	_ =	strace $0xD0000000  }
0x3: {  	_ = 	snop  }
0x4: {  	_ = 	snop  }
0x5: {  	_ = 	snop  }
0x6: {  	_ = 	snop  }
0x7: {  	_ = 	snop  }
__scs_overlays_trampoline_lowered:
0x8: {  	[smem:$0x3FA9] =	sst s0  }
0x9: {  	[smem:$0x3FAA] =	sst s1  }
0xa: {  	[smem:$0x3FAB] =	sst s2  }
0xb: {  	[smem:$0x3FAC] =	sst s3  }
0xc: {  	[smem:$0x3FAD] =	sst s4  }
0xd: {  	[smem:$0x3FAE] =	sst s5  }
0xe: {  	[smem:$0x3FAF] =	sst s6  }
0xf: {  	[smem:$0x3FB0] =	sst s7  }
0x10: {  	[smem:$0x3FB1] =	sst s8  }
0x11: {  	[smem:$0x3FB2] =	sst s9;
	s0 =	simm.s32 @!p0 $0x0  }
0x12: {  	s1 =	sld [smem:$0x3F98];
	s0 =	simm.s32 @p0 $0x1  }
0x13: {  	[smem:$0x3FB3] =	sst s0;
	s0 =	simm.s32 @!p1 $0x0  }
0x14: {  	s2 =	sld [smem:$0x3F97];
	s0 =	simm.s32 @p1 $0x1  }
0x15: {  	[smem:$0x3FB4] =	sst s0;
	s0 =	simm.s32 @!p2 $0x0  }
0x16: {  	s3 =	sld [smem:$0x3FDB];
	s0 =	simm.s32 @p2 $0x1  }
0x17: {  	s4 =	simm.s32 $0x1BF5;
	[smem:$0x3FB6] =	sst s0  }
0x18: {  	s0 =	sld [smem:$0x3F99];
	_ =	swait.ge [sflag:s4], $0x0  }
0x19: {  	s7 =	sld [smem:$0x3F9A]  }
0x1a: {  	s8 =	sadd.s32 $0xFFFFE003, lr  }
0x1b: {  	s9 =	sadd.s32 $0xFFFFFEF7, lr;
	s5 =	simm.s32 $0xFFFFFFFF;
	p2 =	slt.u32 s8, $0xFFFFF086  }
0x1c: {  	p1 =	slt.u32 s9, $0xF7A;
	s5 =	simm.s32 @!p2 $0x0  }
0x1d: {  	s5 =	simm.s32 @p1 $0x1;
	p0 =	seq.s32 s7, s2  }
0x1e: {  	s7 =	smul.u32 @!p0 $0xF7A, s2;
	p2 =	seq.s32 @!p0 s5, $0x0  }
0x1f: {  	s9 =	smul.u32 $0xF7A, s1;
	s8 =	simm.s32 @!p0 $0x1BF5;
	p2 =	por !p2, p0  }
0x20: {  	[sflag:s8] =	ssyncset.s32 @!p0 $0xFFFFF086;
	s6 =	sadd.s32 @!p0 s3, s7;
	s7 =	simm.s32 @!p0 $0x108  }
0x21: {  	s3 =	sadd.s32 s3, s9;
	s6 =	sadd.s32 @!p0 $0x88, s6;
	s7 =	simm.s32 @p2 $0x1082  }
0x22: {  	[simem:s7], [sflag:s8] =	dma.local @!p0 [hbm:s6], $0xF7A  }
0x23: {  	s9 =	sor.u32 $0xD0000000, s2;
	s6 =	simm.s32 $0x108;
	_ =	swait.ge @!p0 [sflag:s8], $0x0  }
0x24: {  	s3 =	sadd.s32 $0x88, s3;
	s6 =	simm.s32 @!p1 $0x1082;
	[sflag:s4] =	ssyncset.s32 $0xFFFFF086  }
0x25: {  	[simem:s6], [sflag:s4] =	dma.local [hbm:s3], $0xF7A  }
0x26: {  	[smem:$0x3F9A] =	sst s1;
	(tag) =	ssettag s2;
	_ =	strace s9  }
0x27: {  	s1 =	sld [smem:$0x3FAA]  }
0x28: {  	s2 =	sld [smem:$0x3FAB]  }
0x29: {  	s4 =	sld [smem:$0x3FAD]  }
0x2a: {  	p0 =	seq.s32 s5, $0x0;
	s5 =	sld [smem:$0x3FAE]  }
0x2b: {  	s6 =	sld [smem:$0x3FAF]  }
0x2c: {  	s7 =	sld [smem:$0x3FB0]  }
0x2d: {  	s3 =	simm.s32 $0x108;
	s8 =	sld [smem:$0x3FB1]  }
0x2e: {  	s3 =	simm.s32 @!p0 $0x1082;
	s9 =	sld [smem:$0x3FB2]  }
0x2f: {  	lr =	sadd.s32 s0, s3;
	s0 =	sld [smem:$0x3FA9]  }
0x30: {  	s3 =	sld [smem:$0x3FAC]  }
0x31: {  	[smem:$0x3FB5] =	sst s10  }
0x32: {  	s10 =	sld [smem:$0x3FB3];
	_ =	sdelay $0x3  }
0x33: {  	p0 =	seq.s32 s10, $0x1;
	s10 =	sld [smem:$0x3FB5];
	_ =	sdelay $0x3  }
0x34: {  	[smem:$0x3FB5] =	sst s10  }
0x35: {  	s10 =	sld [smem:$0x3FB4];
	_ =	sdelay $0x3  }
0x36: {  	p1 =	seq.s32 s10, $0x1;
	s10 =	sld [smem:$0x3FB5];
	_ =	sdelay $0x3  }
0x37: {  	[smem:$0x3FB5] =	sst s10  }
0x38: {  	s10 =	sld [smem:$0x3FB6]  }
0x39: {  	_ = 	snop;
	(pc) =	sbr.ind lr, $3  }
0x3a: {  	_ = 	snop  }
0x3b: {  	_ = 	snop  }
0x3c: {  	p2 =	seq.s32 s10, $0x1;
	s10 =	sld [smem:$0x3FB5]  }
0x3d: {  	_ =	shalt  }
0x3e: {  	_ =	shalt  }
0x3f: {  	_ =	shalt  }
0x40: {  	_ =	shalt  }
0x41: {  	_ =	shalt  }
0x42: {  	_ =	shalt  }
0x43: {  	_ =	shalt  }
0x44: {  	_ =	shalt  }
0x45: {  	_ =	shalt  }
0x46: {  	_ =	shalt  }
0x47: {  	_ =	shalt  }
0x48: {  	_ =	shalt  }
0x49: {  	_ =	shalt  }
0x4a: {  	_ =	shalt  }
0x4b: {  	_ =	shalt  }
0x4c: {  	_ =	shalt  }
0x4d: {  	_ =	shalt  }
0x4e: {  	_ =	shalt  }
0x4f: {  	_ =	shalt  }
0x50: {  	_ =	shalt  }
0x51: {  	_ =	shalt  }
0x52: {  	_ =	shalt  }
0x53: {  	_ =	shalt  }
0x54: {  	_ =	shalt  }
0x55: {  	_ =	shalt  }
0x56: {  	_ =	shalt  }
0x57: {  	_ =	shalt  }
0x58: {  	_ =	shalt  }
0x59: {  	_ =	shalt  }
0x5a: {  	_ =	shalt  }
0x5b: {  	_ =	shalt  }
0x5c: {  	_ =	shalt  }
0x5d: {  	_ =	shalt  }
0x5e: {  	_ =	shalt  }
0x5f: {  	_ =	shalt  }
0x60: {  	_ =	shalt  }
0x61: {  	_ =	shalt  }
0x62: {  	_ =	shalt  }
0x63: {  	_ =	shalt  }
0x64: {  	_ =	shalt  }
0x65: {  	_ =	shalt  }
0x66: {  	_ =	shalt  }
0x67: {  	_ =	shalt  }
0x68: {  	_ =	shalt  }
0x69: {  	_ =	shalt  }
0x6a: {  	_ =	shalt  }
0x6b: {  	_ =	shalt  }
0x6c: {  	_ =	shalt  }
0x6d: {  	_ =	shalt  }
0x6e: {  	_ =	shalt  }
0x6f: {  	_ =	shalt  }
0x70: {  	_ =	shalt  }
0x71: {  	_ =	shalt  }
0x72: {  	_ =	shalt  }
0x73: {  	_ =	shalt  }
0x74: {  	_ =	shalt  }
0x75: {  	_ =	shalt  }
0x76: {  	_ =	shalt  }
0x77: {  	_ =	shalt  }
0x78: {  	_ =	shalt  }
0x79: {  	_ =	shalt  }
0x7a: {  	_ =	shalt  }
0x7b: {  	_ =	shalt  }
0x7c: {  	_ =	shalt  }
0x7d: {  	_ =	shalt  }
0x7e: {  	_ =	shalt  }
0x7f: {  	_ =	shalt  }
0x80: {  	_ =	shalt  }
0x81: {  	_ =	shalt  }
0x82: {  	_ =	shalt  }
0x83: {  	_ =	shalt  }
0x84: {  	_ =	shalt  }
0x85: {  	_ =	shalt  }
0x86: {  	_ =	shalt  }
0x87: {  	_ =	shalt  }
.Lfunc_end0:
.L_simem_size_0:
called_computation_lowered:
.L_overlay_start_0:
0x88: {  	s0 =	sld [smem:$0x3FD9]  }
0x89: {  	s1 =	sld [smem:$0x3FFE];
	_ =	sdelay $0x3  }
0x8a: {  	s0 =	sadd.s32 s1, s0  }
0x8b: {  	[smem:$0x3FC1] =	sst s0  }
0x8c: {  	_ = 	snop  }
0x8d: {  	(tm) =	ssettm $0x1  }
0x8e: {  	s15 =	sld [smem:$0x3FFB];
	_ =	sdelay $0x3  }
0x8f: {  	_ =	strace s15  }
0x90: {  	s0 =	sld [smem:$0x3FFC];
	_ =	sdelay $0x3  }
0x91: {  	_ =	strace s0  }
0x92: {  	s0 =	sld [smem:$0x3FFD];
	_ =	sdelay $0x3  }
0x93: {  	_ =	strace s0  }
0x94: {  	_ =	strace $0x8FFFFFFF  }
0x95: {  	s16 =	sld [smem:$0x3FDB];
	_ =	sdelay $0x1  }
0x96: {  	s17 =	simm.s32 $_scs_section_size  }
0x97: {  	s2 =	simm.s32 $_size__tile_overlayer_lowered;
	s3 =	simm.s32 $_tile_overlayer_lowered  }
0x98: {  	s20 =	simm.s32 $0x1BFF;
	s19 =	sshll.u32 s3, $0x1;
	s0 =	sadd.s32 s17, s16  }
0x99: {  	s4 =	simm.s32 $0x0;
	s18 =	sshll.u32 s2, $0x1;
	s2 =	sadd.s32 s19, s0  }
0x9a: {  	[timem:s4], [sflag:s20] =	dma.local [hbm:s2], s18  }
0x9b: {  	_ =	swait.ge [sflag:s20], s18  }
0x9c: {  	s1 =	ssub.s32 $0x0, s18;
	[sflag:s20] =	ssyncset.done $0x0  }
0x9d: {  	[sflag:s20] =	ssyncadd.s32 s1;
	_ =	sdelay $0x1  }
0x9e: {  	s21 =	simm.s32 $0x1B8B  }
0x9f: {  	_ =	swait.ge [sflag:s21], $0x1  }
0xa0: {  	[sflag:s21] =	ssyncset.done $0x0  }
0xa1: {  	s23 =	simm.s32 $0x1B8E;
	s22 =	sld [smem:$0x3FFE];
	[sflag:s21] =	ssyncadd.s32 $0xFFFFFFFF  }
0xa2: {  	s24 =	simm.s32 $execute0_lowered;
	[smem:$0x3FD2] =	sst s23  }
0xa3: {  	s2 =	sshll.u32 s24, $0x1;
	_ =	strace $0x80000046;
	[dreg:$0x1] =	wrdreg $0xFFFFFFFF  }
0xa4: {  	s25 =	simm.s32 $_size_execute0_lowered;
	s0 =	sadd.s32 s0, s2;
	[dreg:$0x0] =	wrdreg $0x0  }
0xa5: {  	s2 =	sshll.u32 s25, $0x1;
	[dreg:$0x2] =	wrdreg s0  }
0xa6: {  	[dreg:$0x3] =	wrdreg s2  }
0xa7: {  	[dreg:$0x4] =	wrdreg $0xC0  }
0xa8: {  	_ =	task [dreg:s4], $0x5FFFF  }
0xa9: {  	[dreg:$0x1] =	wrdreg $0xFFFFFFFF  }
0xaa: {  	[dreg:$0x0] =	wrdreg $0x60  }
0xab: {  	[dreg:$0x2] =	wrdreg s22  }
0xac: {  	[dreg:$0x3] =	wrdreg $0x9  }
0xad: {  	_ =	task.clear_ibuf [dreg:s4], $0x4FFFF;
	_ =	strace $0x90000046  }
0xae: {  	s26 =	simm.s32 $0x9;
	_ =	strace $0x80000048  }
0xaf: {  	_ =	swait.ge [sflag:s26], $0x1  }
0xb0: {  	[sflag:s26] =	ssyncadd.s32 $0xFFFFFFFF  }
0xb1: {  	_ =	strace $0x90000048  }
0xb2: {  	_ =	sfence  }
0xb3: {  	s28 =	sld [smem:$0x0];
	_ =	sdelay $0x1  }
0xb4: {  	s29 =	srdreg.scid  }
0xb5: {  	s30 =	sshll.u32 s29, $0xD;
	s31 =	sshrl.u32 s29, $0x2  }
0xb6: {  	s1 =	sand.u32 $0x1, s29;
	s2 =	sand.u32 $0x4000, s30;
	s0 =	sadd.s32 s31, s28  }
0xb7: {  	s1 =	sor.u32 s2, s1;
	s0 =	sshll.u32 s0, $0x11  }
0xb8: {  	s0 =	sor.u32 s0, s1  }
0xb9: {  	s0 =	sadd.s32 $0x8F2B, s0  }
0xba: {  	[sflag:s0] =	ssyncadd.remote.s32 $0x1  }
0xbb: {  	_ =	sfence.sel $0xFFFF  }
0xbc: {  	[dreg:$0x0] =	wrdreg $0xFFFFFFFF;
	(pc) =	sbr.abs _section_cstart, $3  }
0xbd: {  	[dreg:$0x1] =	wrdreg $0xFFFFFFFF  }
0xbe: {  	_ =	task.clear_ibuf [dreg:s4], $0x2FFFF;
	_ =	strace $0x9FFFFFFF  }
0xbf: {  	(tm) =	ssettm $0x7FFFFFFF  }
tec
execute0_lowered:
.L_overlay_start_1:
0x0: {  	(tag) =	ssettag $0x1  }
0x1: {  	s4 =	rddreg [dreg:$0x0]  }
0x2: {  	s0 =	rddreg [dreg:$0x1];
	_ =	strace $0x80000047;
	s3 =	stileid.u32  }
0x3: {  	s6 =	simm.s32 $0x3E;
	s1 =	sadd.s32 $0x10A00, s4;
	p0 =	sne.s32 s3, $0x0  }
0x4: {  	[sflag:s6] =	ssyncpa.u1 $0x0;
	s31 =	smin.u32 s3, $0x8;
	p1 =	slt.u32 s3, $0x8  }
0x5: {  	s3 =	simm.s32 $0x10;
	s5 =	simm.s32 @!p0 $0x1C3E;
	s2 =	simm.s32 @!p0 $0x0  }
0x6: {  	[spmem:s2], [sflag:s5] =	dma.local @!p0 [hbm:s1], $0x10  }
0x7: {  	s3 =	simm.s32 @!p1 $0x0;
	s5 =	sshll.u32 s31, $0x4  }
0x8: {  	s3 =	sadd.s32 s3, s5  }
0x9: {  	s9 =	smin.u32 s3, $0x80  }
0xa: {  	s8 =	ssub.s32 s9, s5  }
0xb: {  	p1 =	sgt.s32 s8, $0x0  }
0xc: {  	s7 =	simm.s32 @!p0 $0x3E;
	s8 =	simm.s32 @!p1 $0x0  }
0xd: {  	_ =	swait.ge @!p0 [sflag:s7], $0x10;
	s10 =	sshrl.u32 s8, $0x4  }
0xe: {  	[sflag:s7] =	ssyncset.done @!p0 $0x0;
	s11 =	sadd.s32 $0x1, s10  }
0xf: {  	p3 =	por $0x0, $0x0;
	[sflag:s7] =	ssyncadd.s32 @!p0 $0xFFFFFFF0;
	p1 =	sne.s32 s11, $0x1  }
.Ltmp0:
0x10: {  	s3 =	simm.s32 $0x1;
	[bflag:$0x0] =	sbarrier.arrive $0xFFFF;
	(pc) =	sbr.rel @!p1 .LBB2_1-.Ltmp0, $4  }
0x11: {  	s7 =	sadd.s32 $0x10600, s4;
	[sflag:s6] =	ssyncpa.u1 $0x1;
	s6 =	sadd.s32 $0x10800, s4  }
0x12: {  	s4 =	simm.s32 $0x2;
	s8 =	simm.s32 $0x0;
	p2 =	sle.u32 s10, $0x0  }
0x13: {  	[sflag:s3] =	ssyncpa.u1 $0x0;
	(ifvalue) =	ssetifvalue $0x80;
	s12 =	sxor.u32 @!p2 $0xFFFFFFFF, s8  }
0x14: {  	[sflag:s4] =	ssyncpa.u1 $0x0;
	s15 =	sshrl.u32 @!p2 s5, $0x3;
	s16 =	sand.u32 @!p2 $0x10, s12  }
0x15: {  	s12 =	sadd.s32 @!p2 s7, s15  }
0x16: {  	s13 =	sor.u32 @!p2 $0x8, s16;
	s14 =	sand.u32 @!p2 $0x7, s5;
	p1 =	por $0x1, $0x1  }
0x17: {  	[tilespmem:s13], [sflag:$0x2] =	stream.linear.gather @!p2 [hbm4b:s12+s14], $0x10, $0x38;
	[tilespmem:$0x48] =	vst v63  }
0x18: {  	s15 =	sadd.s32 @!p2 s6, s15;
	s12 =	sor.u32 @!p2 $0x28, s16;
	s13 =	simm.s32 @!p1 $0x2  }
0x19: {  	[tilespmem:s12], [sflag:$0x2] =	stream.linear.gather @!p2 [hbm4b:s15+s14], $0x10, $0x38;
	[tilespmem:$0x48] =	vst v63  }
0x1a: {  	_ =	swait.ge @!p1 [sflag:s13], $0x20  }
0x1b: {  	s8 =	sand.u32 @!p1 $0x10, s8;
	[sflag:s13] =	ssyncset.done @!p1 $0x0  }
0x1c: {  	s12 =	sor.u32 @!p1 $0x8, s8;
	[sflag:s13] =	ssyncadd.s32 @!p1 $0xFFFFFFE0  }
0x1d: {  	v0 =	vld.msk @!p1 [tilespmem:s12+$0x0 ss:$0x1], $0xffff;
	_ =	sdelay $0x3  }
0x1e: {  	p4 =	sne.s32 s11, $0x2  }
.Ltmp1:
0x1f: {  	s18 =	simm.s32 @!p1 $0x0;
	s17 =	simm.s32 @!p1 $0x1;
	v0 =	vmin.u32 @!p1 v0, $0x80;
	(pc) =	sbr.rel @!p4 .LBB2_3-.Ltmp1, $4  }
0x20: {  	s15 =	sadd.s32 $0x10, s5;
	p2 =	sle.u32 s10, $0x1;
	s14 =	smov.u32 s5  }
0x21: {  	p3 =	slt.s32 s15, s9;
	s13 =	sor.u32 @!p1 $0x28, s8;
	s8 =	simm.s32 $0x10  }
0x22: {  	s14 =	smov.u32 @p3 s15;
	p3 =	por $0x1, $0x1;
	s16 =	sxor.u32 @!p2 $0xFFFFFFFF, s8  }
0x23: {  	vm0 =	vmmov @!p1 $0xffff;
	s15 =	sshrl.u32 @!p2 s14, $0x3;
	s12 =	simm.s32 $0x2;
	s16 =	sand.u32 @!p2 $0x10, s16  }
.LBB2_4:
0x24: {  	[spmem:s18] =	stream.indirect_vreg.scatter.add.s32 @!p1 [tilespmem:s13], [sflag:$0x1], $0x1, v0, vm0, $0x4038;
	[tilespmem:$0x48] =	vst v63  }
0x25: {  	s13 =	sadd.s32 @!p2 s7, s15;
	s18 =	sor.u32 @!p2 $0x8, s16;
	_ =	swait.ge @!p1 [sflag:s17], $0x10  }
0x26: {  	s19 =	smov.u32 s12;
	s12 =	sadd.s32 $0x1, s12;
	[sflag:s17] =	ssyncset.done @!p1 $0x0  }
0x27: {  	s20 =	sand.u32 @!p2 $0x7, s14;
	[sflag:s17] =	ssyncadd.s32 @!p1 $0xFFFFFFF0;
	p1 =	seq.s32 s8, $0x0  }
0x28: {  	[tilespmem:s18], [sflag:$0x2] =	stream.linear.gather @!p2 [hbm4b:s13+s20], $0x10, $0x38;
	[tilespmem:$0x48] =	vst v63  }
0x29: {  	s16 =	sor.u32 @!p2 $0x28, s16;
	s17 =	simm.s32 @!p1 $0x2;
	s13 =	sand.u32 @!p1 $0x10, s8  }
0x2a: {  	s15 =	sadd.s32 @!p2 s6, s15;
	s18 =	sor.u32 @!p1 $0x8, s13;
	s13 =	sor.u32 @!p1 $0x28, s13  }
0x2b: {  	[tilespmem:s16], [sflag:$0x2] =	stream.linear.gather @!p2 [hbm4b:s15+s20], $0x10, $0x38;
	[tilespmem:$0x48] =	vst v63  }
0x2c: {  	p4 =	sne.s32 s11, s12;
	_ =	swait.ge @!p1 [sflag:s17], $0x20  }
0x2d: {  	[sflag:s17] =	ssyncset.done @!p1 $0x0  }
0x2e: {  	[sflag:s17] =	ssyncadd.s32 @!p1 $0xFFFFFFE0  }
0x2f: {  	v0 =	vld.msk @!p1 [tilespmem:s18+$0x0 ss:$0x1], $0xffff;
	_ =	sdelay $0x5  }
.Ltmp2:
0x30: {  	s8 =	sadd.s32 $0x10, s8;
	v0 =	vmin.u32 @!p1 v0, $0x80;
	(pc) =	sbr.rel @p4 .LBB2_4-.Ltmp2, $4  }
0x31: {  	vm0 =	vmmov @!p1 $0xffff;
	s15 =	sadd.s32 $0x10, s14;
	p2 =	sge.u32 s19, s10;
	s18 =	simm.s32 @!p1 $0x0  }
0x32: {  	s14 =	smov.u32 s5;
	p5 =	slt.s32 s15, s9;
	s17 =	simm.s32 @!p1 $0x1  }
0x33: {  	s16 =	sxor.u32 @!p2 $0xFFFFFFFF, s8;
	s14 =	smov.u32 @p5 s15  }
0x34: {  	s16 =	sand.u32 @!p2 $0x10, s16;
	s15 =	sshrl.u32 @!p2 s14, $0x3  }
0x35: {  	s5 =	smov.u32 s14  }
.LBB2_6:
0x36: {  	_ =	sdelay $0x2  }
0x37: {  	p3 =	por p1, !p3  }
0x38: {  	[spmem:s18] =	stream.indirect_vreg.scatter.add.s32 @!p3 [tilespmem:s13], [sflag:$0x1], $0x1, v0, vm0, $0x4038;
	[tilespmem:$0x48] =	vst v63  }
0x39: {  	_ =	swait.ge @!p3 [sflag:s17], $0x10  }
0x3a: {  	s7 =	sadd.s32 @!p2 s7, s15;
	s9 =	sor.u32 @!p2 $0x8, s16;
	[sflag:s17] =	ssyncset.done @!p3 $0x0  }
0x3b: {  	s5 =	sand.u32 @!p2 $0x7, s5;
	p1 =	seq.s32 s8, $0x0;
	[sflag:s17] =	ssyncadd.s32 @!p3 $0xFFFFFFF0  }
0x3c: {  	[tilespmem:s9], [sflag:$0x2] =	stream.linear.gather @!p2 [hbm4b:s7+s5], $0x10, $0x38;
	[tilespmem:$0x48] =	vst v63  }
0x3d: {  	s6 =	sadd.s32 @!p2 s6, s15;
	s7 =	sor.u32 @!p2 $0x28, s16;
	s9 =	simm.s32 @!p1 $0x2  }
0x3e: {  	[tilespmem:s7], [sflag:$0x2] =	stream.linear.gather @!p2 [hbm4b:s6+s5], $0x10, $0x38;
	[tilespmem:$0x48] =	vst v63  }
0x3f: {  	_ =	swait.ge @!p1 [sflag:s9], $0x20  }
0x40: {  	s5 =	sand.u32 @!p1 $0x10, s8;
	[sflag:s9] =	ssyncset.done @!p1 $0x0  }
0x41: {  	s6 =	sor.u32 @!p1 $0x8, s5;
	[sflag:s9] =	ssyncadd.s32 @!p1 $0xFFFFFFE0  }
0x42: {  	v0 =	vld.msk @!p1 [tilespmem:s6+$0x0 ss:$0x1], $0xffff;
	_ =	sdelay $0x4  }
0x43: {  	v0 =	vmin.u32 @!p1 v0, $0x80;
	_ =	sdelay $0x3  }
0x44: {  	vm0 =	vmmov @!p1 $0xffff;
	s7 =	simm.s32 @!p1 $0x1;
	s5 =	sor.u32 @!p1 $0x28, s5;
	s6 =	simm.s32 @!p1 $0x0  }
0x45: {  	[spmem:s6] =	stream.indirect_vreg.scatter.add.s32 @!p1 [tilespmem:s5], [sflag:$0x1], $0x1, v0, vm0, $0x4038;
	[tilespmem:$0x48] =	vst v63  }
0x46: {  	_ =	swait.ge @!p1 [sflag:s7], $0x10  }
0x47: {  	[sflag:s7] =	ssyncset.done @!p1 $0x0  }
0x48: {  	[sflag:s7] =	ssyncadd.s32 @!p1 $0xFFFFFFF0  }
0x49: {  	_ =	sfence.sel $0x180000  }
0x4a: {  	[bflag:$0x0] =	sbarrier.arrive $0xFFFF  }
0x4b: {  	[sflag:s4] =	ssyncpa.u1 $0x1  }
0x4c: {  	[sflag:s3] =	ssyncpa.u1 $0x1  }
0x4d: {  	_ =	sfence.stream.spmem  }
0x4e: {  	s31 =	simm.s32 $0x3D;
	[bflag:$0x0] =	sbarrier.arrive $0xFFFF  }
0x4f: {  	s3 =	simm.s32 @p0 $0x3D;
	[sflag:s31] =	ssyncpa.u1 $0x0  }
0x50: {  	[sflag:s3] =	ssyncpa.u1 @p0 $0x1  }
0x51: {  	[bflag:$0x0] =	sbarrier.arrive @p0 $0xFFFF  }
0x52: {  	_ =	strace @p0 $0x90000047  }
0x53: {  	s3 =	simm.s32 @!p0 $0x1C3D;
	[bflag:$0x2] =	sbarrier.arrive @p0 $0xFFFF  }
0x54: {  	[hbm:s1], [sflag:s3] =	dma.local @!p0 [spmem:s2], $0x10  }
0x55: {  	s1 =	simm.s32 @!p0 $0x3D  }
0x56: {  	_ =	swait.ge @!p0 [sflag:s1], $0x10  }
0x57: {  	[sflag:s1] =	ssyncset.done @!p0 $0x0  }
0x58: {  	[sflag:s1] =	ssyncadd.s32 @!p0 $0xFFFFFFF0  }
0x59: {  	[sflag:s1] =	ssyncpa.u1 @!p0 $0x1  }
0x5a: {  	[bflag:$0x0] =	sbarrier.arrive @!p0 $0xFFFF  }
0x5b: {  	_ =	strace @!p0 $0x90000047  }
0x5c: {  	s0 =	sadd.s32 @!p0 $0x100000, s0;
	[bflag:$0x2] =	sbarrier.arrive @!p0 $0xFFFF  }
0x5d: {  	[sflag:s0] =	ssyncadd.tile.s32 @!p0 $0x1;
	_ =	shalt  }
.LBB2_1:
.Ltmp3:
0x5e: {  	(pc) =	sbr.rel .LBB2_6-.Ltmp3, $2  }
0x5f: {  	_ =	sdelay $0x2  }
0x60: {  	_ = 	snop  }
.LBB2_3:
.Ltmp4:
0x61: {  	(pc) =	sbr.rel .LBB2_6-.Ltmp4, $2  }
0x62: {  	_ =	sdelay $0x2  }
0x63: {  	s5 =	smov.u32 s14  }
.Lfunc_end2:
_tile_overlayer_lowered:
.L_overlay_start_2:
0x64: {  	(tag) =	ssettag $0x2  }
0x65: {  	s0 =	rddreg [dreg:$0x0];
	s2 =	stileid.u32  }
0x66: {  	s1 =	rddreg [dreg:$0x1];
	p0 =	sne.s32 s2, $0x0  }
0x67: {  	s3 =	rddreg [dreg:$0x2];
	[bflag:$0x3] =	sbarrier.arrive $0xFFFF;
	s2 =	simm.s32 @!p0 $0x1C01  }
0x68: {  	[timem:s3], [sflag:s2] =	dma.local @!p0 [hbm:s0], s1  }
0x69: {  	s0 =	simm.s32 @!p0 $0x1  }
0x6a: {  	_ =	swait.ge @!p0 [sflag:s0], s1  }
0x6b: {  	s1 =	ssub.s32 @!p0 $0x0, s1;
	[sflag:s0] =	ssyncset.done @!p0 $0x0  }
0x6c: {  	[sflag:s0] =	ssyncadd.s32 @!p0 s1  }
0x6d: {  	[bflag:$0x3] =	sbarrier.arrive $0xFFFF  }
0x6e: {  	_ =	shalt  }

</sc_bundles>
